<compile_context>
chip_gen: v7x
topology: tpu7x:2x2x1
jax: 0.10.2.dev20260603
libtpu: 0.0.44.dev20260713+nightly
codegen_flags: <defaults>
</compile_context>

<pallas_src>
import functools

import jax
import jax.numpy as jnp
from jax import lax
from jax.experimental import pallas as pl
from jax.experimental.pallas import tpu as pltpu
from jax.experimental.pallas import tpu_sc as plsc

N = 10000
TOTAL = N * N
K = N * 16
NB_SHIFT = 16
NBUCKET = 16384
CAP = 32768
NT = 32

_MESH = plsc.VectorSubcoreMesh(core_axis_name="c", subcore_axis_name="s")


def _row_start(wid):
    return jnp.where(wid < 16, wid * 313, 16 * 313 + (wid - 16) * 312)


@functools.partial(
    pl.kernel,
    out_type=jax.ShapeDtypeStruct((NT, NBUCKET), jnp.int32),
    mesh=_MESH,
    compiler_params=pltpu.CompilerParams(needs_layout_passes=False),
    scratch_types=[
        pltpu.VMEM((N,), jnp.int32),
        pltpu.VMEM((N,), jnp.int32),
        pltpu.VMEM((NBUCKET,), jnp.int32),
        pltpu.SemaphoreType.DMA,
        pltpu.SemaphoreType.DMA,
    ],
)
def _sc_hist(x_hbm, hist_out, bufa, bufb, histbuf, sema, semb):
    wid = lax.axis_index("s") * 2 + lax.axis_index("c")
    start = _row_start(wid)
    nrows = jnp.where(wid < 16, 313, 312)
    end = start + nrows
    zeros = jnp.zeros((16,), jnp.int32)

    def zbody(i, carry):
        for u in range(8):
            histbuf[pl.ds((i * 8 + u) * 16, 16)] = zeros
        return carry

    lax.fori_loop(0, NBUCKET // 128, zbody, 0)

    ones = jnp.ones((16,), jnp.int32)

    def issue(buf, sem, r):
        @pl.when(r < end)
        def _():
            pltpu.async_copy(x_hbm.at[r], buf, sem)

    def wait(buf, sem, r):
        pltpu.make_async_copy(x_hbm.at[r], buf, sem).wait()

    def process(buf):
        @plsc.parallel_loop(0, N // 16, unroll=8)
        def _(i):
            kb = buf[pl.ds(i * 16, 16)]
            plsc.addupdate_scatter(histbuf, [kb >> NB_SHIFT], ones)

    issue(bufa, sema, start)
    issue(bufb, semb, start + 1)

    def pair_body(i, carry):
        r = start + 2 * i
        wait(bufa, sema, r)
        process(bufa)
        issue(bufa, sema, r + 2)
        wait(bufb, semb, r + 1)
        process(bufb)
        issue(bufb, semb, r + 3)
        return carry

    lax.fori_loop(0, nrows // 2, pair_body, 0)

    @pl.when(nrows % 2 == 1)
    def _():
        wait(bufa, sema, end - 1)
        process(bufa)

    pltpu.sync_copy(histbuf, hist_out.at[wid])


def _findbucket_body(hist_ref, out_ref):
    h = hist_ref[...]
    cs = jnp.sum(h, axis=0, keepdims=True)
    iota = lax.broadcasted_iota(jnp.int32, (1, NBUCKET), 1)

    def g(b):
        return jnp.sum(jnp.where(iota >= b, cs, 0))

    def body(_, lh):
        lo, hi = lh
        mid = (lo + hi) // 2
        ge = g(mid) >= K
        return jnp.where(ge, mid, lo), jnp.where(ge, hi, mid)

    lo, _ = lax.fori_loop(
        0, 14, body, (jnp.int32(0), jnp.int32(NBUCKET))
    )
    nhi = g(lo + 1)
    row = lax.broadcasted_iota(jnp.int32, (8, 128), 0)
    col = lax.broadcasted_iota(jnp.int32, (8, 128), 1)
    val = jnp.where(col == 0, lo, jnp.where(col == 1, nhi, 0))
    out_ref[...] = jnp.where(row == 0, val, 0)


def _tc_findbucket(hist):
    return pl.pallas_call(
        _findbucket_body,
        out_shape=jax.ShapeDtypeStruct((8, 128), jnp.int32),
    )(hist)


@functools.partial(
    pl.kernel,
    out_type=(
        jax.ShapeDtypeStruct((NT, CAP), jnp.int32),
        jax.ShapeDtypeStruct((NT, CAP), jnp.int32),
    ),
    mesh=_MESH,
    compiler_params=pltpu.CompilerParams(needs_layout_passes=False),
    scratch_types=[
        pltpu.VMEM((N,), jnp.int32),
        pltpu.VMEM((N,), jnp.int32),
        pltpu.VMEM((CAP,), jnp.int32),
        pltpu.VMEM((CAP,), jnp.int32),
        pltpu.VMEM((16,), jnp.int32),
        pltpu.SemaphoreType.DMA,
        pltpu.SemaphoreType.DMA,
    ],
)
def _sc_compact(
    x_hbm, scal_hbm, kcand_out, icand_out, bufa, bufb, kbuf, ibuf, sbuf, sema, semb
):
    wid = lax.axis_index("s") * 2 + lax.axis_index("c")
    start = _row_start(wid)
    nrows = jnp.where(wid < 16, 313, 312)
    end = start + nrows
    pltpu.sync_copy(scal_hbm, sbuf)
    bstar = sbuf[...][0]

    neg1 = jnp.full((16,), -1, jnp.int32)

    def zbody(i, carry):
        for u in range(8):
            kbuf[pl.ds((i * 8 + u) * 16, 16)] = neg1
        return carry

    lax.fori_loop(0, CAP // 128, zbody, 0)

    lane = lax.iota(jnp.int32, 16)
    ones = jnp.ones((16,), jnp.int32)

    def issue(buf, sem, r):
        @pl.when(r < end)
        def _():
            pltpu.async_copy(x_hbm.at[r], buf, sem)

    def wait(buf, sem, r):
        pltpu.make_async_copy(x_hbm.at[r], buf, sem).wait()

    def process(buf, fb, curm1):
        def vb(i, curm1):
            off = i * 16
            kb = buf[pl.ds(off, 16)]
            msk = (kb >> NB_SHIFT) == bstar
            cnt = plsc.all_reduce_population_count(msk)
            pos = curm1 + plsc.cumsum(ones, mask=msk)
            okm = jnp.logical_and(msk, pos < CAP)
            plsc.store_scatter(kbuf, [pos], kb, mask=okm)
            plsc.store_scatter(ibuf, [pos], fb + off + lane, mask=okm)
            return curm1 + cnt

        return plsc.parallel_loop(0, N // 16, carry=curm1, unroll=8)(vb)

    issue(bufa, sema, start)
    issue(bufb, semb, start + 1)

    def pair_body(i, curm1):
        r = start + 2 * i
        wait(bufa, sema, r)
        curm1 = process(bufa, r * N, curm1)
        issue(bufa, sema, r + 2)
        wait(bufb, semb, r + 1)
        curm1 = process(bufb, (r + 1) * N, curm1)
        issue(bufb, semb, r + 3)
        return curm1

    curm1 = lax.fori_loop(0, nrows // 2, pair_body, jnp.full((16,), -1, jnp.int32))

    @pl.when(nrows % 2 == 1)
    def _():
        wait(bufa, sema, end - 1)
        process(bufa, (end - 1) * N, curm1)

    pltpu.sync_copy(kbuf, kcand_out.at[wid])
    pltpu.sync_copy(ibuf, icand_out.at[wid])


def _select_body(scal_ref, kc_ref, ic_ref, out_ref):
    bstar = scal_ref[0]
    kk = K - scal_ref[1]
    keys = kc_ref[...]
    idxs = ic_ref[...]
    lo0 = bstar << NB_SHIFT

    def cge(t):
        return jnp.sum((keys >= t).astype(jnp.int32))

    def b1(_, lh):
        lo, hi = lh
        mid = (lo + hi) // 2
        ge = cge(mid) >= kk
        return jnp.where(ge, mid, lo), jnp.where(ge, hi, mid)

    t, _ = lax.fori_loop(0, 16, b1, (lo0, lo0 + (1 << NB_SHIFT)))
    m = kk - cge(t + 1)
    eq = keys == t

    def feq(c):
        return jnp.sum(jnp.logical_and(eq, idxs <= c).astype(jnp.int32))

    def b2(_, lh):
        lo2, hi2 = lh
        mid = (lo2 + hi2) // 2
        ge = feq(mid) >= m
        return jnp.where(ge, lo2, mid), jnp.where(ge, mid, hi2)

    _, icut = lax.fori_loop(
        0, 27, b2, (jnp.int32(-1), jnp.int32(TOTAL - 1))
    )
    row = lax.broadcasted_iota(jnp.int32, (8, 128), 0)
    col = lax.broadcasted_iota(jnp.int32, (8, 128), 1)
    val = jnp.where(col == 0, t, jnp.where(col == 1, icut, 0))
    out_ref[...] = jnp.where(row == 0, val, 0)


def _tc_select(scal, kcand, icand):
    return pl.pallas_call(
        _select_body,
        in_specs=[
            pl.BlockSpec(memory_space=pltpu.SMEM),
            pl.BlockSpec(memory_space=pltpu.VMEM),
            pl.BlockSpec(memory_space=pltpu.VMEM),
        ],
        out_shape=jax.ShapeDtypeStruct((8, 128), jnp.int32),
    )(scal, kcand, icand)


BR = 80


def _emit_body(scal_ref, x_ref, w_ref, a_ref):
    t = scal_ref[0]
    icut = scal_ref[1]
    x = x_ref[...]
    kb = lax.bitcast_convert_type(x, jnp.int32)
    pid = pl.program_id(0)
    row = lax.broadcasted_iota(jnp.int32, (BR, N), 0)
    col = lax.broadcasted_iota(jnp.int32, (BR, N), 1)
    flat = (pid * BR + row) * N + col
    msk = (kb > t) | ((kb == t) & (flat <= icut))
    a_ref[...] = jnp.where(msk, jnp.float32(1.0), jnp.float32(0.0))
    w_ref[...] = jnp.where(msk, x, jnp.float32(0.0))


def _tc_emit(scal, x):
    grid = (N // BR,)
    blk = pl.BlockSpec((BR, N), lambda i: (i, 0))
    return pl.pallas_call(
        _emit_body,
        grid=grid,
        in_specs=[
            pl.BlockSpec(memory_space=pltpu.SMEM),
            blk,
        ],
        out_specs=(blk, blk),
        out_shape=(
            jax.ShapeDtypeStruct((N, N), jnp.float32),
            jax.ShapeDtypeStruct((N, N), jnp.float32),
        ),
    )(scal, x)


def kernel(weight_matrix):
    x = weight_matrix
    xi = lax.bitcast_convert_type(x, jnp.int32)
    hist = _sc_hist(xi)
    sc1 = _tc_findbucket(hist)
    scal16 = sc1[0, :16]
    kcand, icand = _sc_compact(xi, scal16)
    sc2 = _tc_select(sc1[0, :2], kcand, icand)
    wout, adj = _tc_emit(sc2[0, :2], x)
    return wout, adj

# --- scband reference (transcript-rebuilt; emitter-appended) ---
"""Pipeline reference for scband-graph-generator-10746008175262 (READ-ONLY COPY).

The authoritative reference and input builder live on the scoring server;
editing this copy changes nothing except your own understanding.
"""

import jax, jax.numpy as jnp
import numpy as np

NODE_NUM = 10000
EDGE_MINIBATCH = 16
EDGE_NUM = NODE_NUM * EDGE_MINIBATCH


def setup_inputs(seed: int = 0) -> dict:
    key = jax.random.key(seed)
    # weight_matrix is the module's learned Parameter, initialized with torch.rand (uniform [0,1))
    weight_matrix = jax.random.uniform(key, (NODE_NUM, NODE_NUM), dtype=jnp.float32)
    return {"weight_matrix": weight_matrix}


def reference(weight_matrix):
    # Faithful translation of Graph_Generator.sample_matrix()
    weight_vector = weight_matrix.reshape(-1)
    # top-k over the flattened weight matrix
    _, chosen_indices = jax.lax.top_k(weight_vector, EDGE_NUM)
    # cal_row_col: index -> (row, col)
    rows = chosen_indices // NODE_NUM
    cols = chosen_indices % NODE_NUM
    # partial_adj_matrix: zeros with 1 at chosen (row, col)
    partial_adj_matrix = jnp.zeros((NODE_NUM, NODE_NUM), dtype=jnp.float32).at[rows, cols].set(1.0)
    # partial_weight_matrix = adj .* weight
    partial_weight_matrix = partial_adj_matrix * weight_matrix
    # --- bookkeeping side-effects (chosen_edge_cache starts as tensor(-1), history empty) ---
    chosen_edge_cache = jnp.array([-1], dtype=chosen_indices.dtype)
    common_elements = jnp.isin(chosen_indices, chosen_edge_cache)
    edge_overlap_rate = jnp.sum(common_elements) / chosen_indices.shape[0]
    chosen_edge_history = jnp.unique(chosen_indices.astype(jnp.float32), size=EDGE_NUM, fill_value=-1.0)
    edge_coverage = chosen_edge_history.shape[0] / weight_vector.shape[0]
    del edge_overlap_rate, edge_coverage  # stats stored on module, not returned
    return (partial_weight_matrix, partial_adj_matrix)

if __name__ == "__main__":
    import jax
    _d = setup_inputs()
    print(jax.jit(kernel)(*tuple(_d.values())))

</pallas_src>

<mosaic_0001>
#map = affine_map<(d0, d1) -> (0, 0)>
#map1 = affine_map<(d0, d1) -> (0)>
module attributes {stable_mosaic.version = 14 : i64} {
  func.func @_sc_compact(%arg0: i32, %arg1: i32, %arg2: memref<10000x10000xi32, #tpu.memory_space<hbm>>, %arg3: memref<16xi32, #tpu.memory_space<hbm>>, %arg4: memref<32x32768xi32, #tpu.memory_space<hbm>>, %arg5: memref<32x32768xi32, #tpu.memory_space<hbm>>, %arg6: memref<10000xi32, #tpu.memory_space<vmem>>, %arg7: memref<10000xi32, #tpu.memory_space<vmem>>, %arg8: memref<32768xi32, #tpu.memory_space<vmem>>, %arg9: memref<32768xi32, #tpu.memory_space<vmem>>, %arg10: memref<16xi32, #tpu.memory_space<vmem>>, %arg11: memref<!tpu.dma_semaphore, #tpu.memory_space<semaphore_mem>>, %arg12: memref<!tpu.dma_semaphore, #tpu.memory_space<semaphore_mem>>) attributes {dimension_semantics = [#tpu.dimension_semantics<core_parallel>, #tpu.dimension_semantics<subcore_parallel>], iteration_bounds = array<i64: 2, 16>, scalar_prefetch = 0 : i64, scratch_operands = 7 : i64, tpu.core_type = #tpu.core_type<sc_vector_subcore>, window_params = [{transform_indices = #map}, {transform_indices = #map1}, {transform_indices = #map}, {transform_indices = #map}]} {
    %mul3A = arith.constant 2 : i32
    %mul3A_0 = arith.muli %arg1, %mul3A : i32
    %add3A = arith.addi %mul3A_0, %arg0 : i32
    %lt3A = arith.constant 16 : i32
    %lt3A_1 = arith.cmpi slt, %add3A, %lt3A : i32
    %mul3A_2 = arith.constant 313 : i32
    %mul3A_3 = arith.muli %add3A, %mul3A_2 : i32
    %sub3A = arith.constant 16 : i32
    %sub3A_4 = arith.subi %add3A, %sub3A : i32
    %mul3A_5 = arith.constant 312 : i32
    %mul3A_6 = arith.muli %sub3A_4, %mul3A_5 : i32
    %add3A_7 = arith.constant 5008 : i32
    %add3A_8 = arith.addi %add3A_7, %mul3A_6 : i32
    %select_n3A = arith.select %lt3A_1, %mul3A_3, %add3A_8 : i32
    %lt3A_9 = arith.constant 16 : i32
    %lt3A_10 = arith.cmpi slt, %add3A, %lt3A_9 : i32
    %jit3A = arith.constant 313 : i32
    %jit3A_11 = arith.constant 312 : i32
    %select_n3A_12 = arith.select %lt3A_10, %jit3A, %jit3A_11 : i32
    %add3A_13 = arith.addi %select_n3A, %select_n3A_12 : i32
    "tpu.region"() ({
      %run_scoped3A = tpu.sem_alloc : memref<!tpu.dma_semaphore, #tpu.memory_space<semaphore_mem>>
      tpu.enqueue_dma source(%arg3 : memref<16xi32, #tpu.memory_space<hbm>>) target(%arg10 : memref<16xi32, #tpu.memory_space<vmem>>) target_semaphore(%run_scoped3A : memref<!tpu.dma_semaphore, #tpu.memory_space<semaphore_mem>>)
      tpu.wait_dma2 semaphore(%run_scoped3A : memref<!tpu.dma_semaphore, #tpu.memory_space<semaphore_mem>>) src(%arg3 : memref<16xi32, #tpu.memory_space<hbm>>) dst(%arg10 : memref<16xi32, #tpu.memory_space<vmem>>)
      tpu.yield
    }) : () -> ()
    %get3A = arith.constant 0 : index
    %get3A_14 = tpu.vector_load %arg10[%get3A] {strides = array<i32>} : memref<16xi32, #tpu.memory_space<vmem>>, vector<16xi32>,
    %slice3A = vector.extract_strided_slice %get3A_14 {offsets = [0], sizes = [1], strides = [1]} : vector<16xi32> to vector<1xi32>
    %squeeze3A = vector.extract %slice3A[0] : i32 from vector<1xi32>
    %broadcast_in_dim3A = arith.constant -1 : i32
    %broadcast_in_dim3A_15 = vector.broadcast %broadcast_in_dim3A : i32 to vector<16xi32>
    %scan3A = arith.constant 0 : i32
    %scan3A_16 = arith.constant 0 : i32
    %scan3A_17 = arith.constant 256 : i32
    %scan3A_18 = arith.addi %scan3A_16, %scan3A_17 : i32
    %scan3A_19 = arith.constant 1 : i32
    scf.for %scan3A_82 = %scan3A_16 to %scan3A_18 step %scan3A_19  : i32 {
      %mul3A_83 = arith.constant 8 : i32
      %mul3A_84 = arith.muli %scan3A_82, %mul3A_83 : i32
      %add3A_85 = arith.constant 0 : i32
      %add3A_86 = arith.addi %mul3A_84, %add3A_85 : i32
      %mul3A_87 = arith.constant 16 : i32
      %mul3A_88 = arith.muli %add3A_86, %mul3A_87 : i32
      %swap3A = arith.index_cast %mul3A_88 : i32 to index
      %swap3A_89 = tpu.vector_load %arg8[%swap3A] {strides = array<i32>} : memref<32768xi32, #tpu.memory_space<vmem>>, vector<16xi32>,
      tpu.vector_store %arg8[%swap3A], %broadcast_in_dim3A_15 {strides = array<i32>} : memref<32768xi32, #tpu.memory_space<vmem>>, vector<16xi32>,
      %mul3A_90 = arith.constant 8 : i32
      %mul3A_91 = arith.muli %scan3A_82, %mul3A_90 : i32
      %add3A_92 = arith.constant 1 : i32
      %add3A_93 = arith.addi %mul3A_91, %add3A_92 : i32
      %mul3A_94 = arith.constant 16 : i32
      %mul3A_95 = arith.muli %add3A_93, %mul3A_94 : i32
      %swap3A_96 = arith.index_cast %mul3A_95 : i32 to index
      %swap3A_97 = tpu.vector_load %arg8[%swap3A_96] {strides = array<i32>} : memref<32768xi32, #tpu.memory_space<vmem>>, vector<16xi32>,
      tpu.vector_store %arg8[%swap3A_96], %broadcast_in_dim3A_15 {strides = array<i32>} : memref<32768xi32, #tpu.memory_space<vmem>>, vector<16xi32>,
      %mul3A_98 = arith.constant 8 : i32
      %mul3A_99 = arith.muli %scan3A_82, %mul3A_98 : i32
      %add3A_100 = arith.constant 2 : i32
      %add3A_101 = arith.addi %mul3A_99, %add3A_100 : i32
      %mul3A_102 = arith.constant 16 : i32
      %mul3A_103 = arith.muli %add3A_101, %mul3A_102 : i32
      %swap3A_104 = arith.index_cast %mul3A_103 : i32 to index
      %swap3A_105 = tpu.vector_load %arg8[%swap3A_104] {strides = array<i32>} : memref<32768xi32, #tpu.memory_space<vmem>>, vector<16xi32>,
      tpu.vector_store %arg8[%swap3A_104], %broadcast_in_dim3A_15 {strides = array<i32>} : memref<32768xi32, #tpu.memory_space<vmem>>, vector<16xi32>,
      %mul3A_106 = arith.constant 8 : i32
      %mul3A_107 = arith.muli %scan3A_82, %mul3A_106 : i32
      %add3A_108 = arith.constant 3 : i32
      %add3A_109 = arith.addi %mul3A_107, %add3A_108 : i32
      %mul3A_110 = arith.constant 16 : i32
      %mul3A_111 = arith.muli %add3A_109, %mul3A_110 : i32
      %swap3A_112 = arith.index_cast %mul3A_111 : i32 to index
      %swap3A_113 = tpu.vector_load %arg8[%swap3A_112] {strides = array<i32>} : memref<32768xi32, #tpu.memory_space<vmem>>, vector<16xi32>,
      tpu.vector_store %arg8[%swap3A_112], %broadcast_in_dim3A_15 {strides = array<i32>} : memref<32768xi32, #tpu.memory_space<vmem>>, vector<16xi32>,
      %mul3A_114 = arith.constant 8 : i32
      %mul3A_115 = arith.muli %scan3A_82, %mul3A_114 : i32
      %add3A_116 = arith.constant 4 : i32
      %add3A_117 = arith.addi %mul3A_115, %add3A_116 : i32
      %mul3A_118 = arith.constant 16 : i32
      %mul3A_119 = arith.muli %add3A_117, %mul3A_118 : i32
      %swap3A_120 = arith.index_cast %mul3A_119 : i32 to index
      %swap3A_121 = tpu.vector_load %arg8[%swap3A_120] {strides = array<i32>} : memref<32768xi32, #tpu.memory_space<vmem>>, vector<16xi32>,
      tpu.vector_store %arg8[%swap3A_120], %broadcast_in_dim3A_15 {strides = array<i32>} : memref<32768xi32, #tpu.memory_space<vmem>>, vector<16xi32>,
      %mul3A_122 = arith.constant 8 : i32
      %mul3A_123 = arith.muli %scan3A_82, %mul3A_122 : i32
      %add3A_124 = arith.constant 5 : i32
      %add3A_125 = arith.addi %mul3A_123, %add3A_124 : i32
      %mul3A_126 = arith.constant 16 : i32
      %mul3A_127 = arith.muli %add3A_125, %mul3A_126 : i32
      %swap3A_128 = arith.index_cast %mul3A_127 : i32 to index
      %swap3A_129 = tpu.vector_load %arg8[%swap3A_128] {strides = array<i32>} : memref<32768xi32, #tpu.memory_space<vmem>>, vector<16xi32>,
      tpu.vector_store %arg8[%swap3A_128], %broadcast_in_dim3A_15 {strides = array<i32>} : memref<32768xi32, #tpu.memory_space<vmem>>, vector<16xi32>,
      %mul3A_130 = arith.constant 8 : i32
      %mul3A_131 = arith.muli %scan3A_82, %mul3A_130 : i32
      %add3A_132 = arith.constant 6 : i32
      %add3A_133 = arith.addi %mul3A_131, %add3A_132 : i32
      %mul3A_134 = arith.constant 16 : i32
      %mul3A_135 = arith.muli %add3A_133, %mul3A_134 : i32
      %swap3A_136 = arith.index_cast %mul3A_135 : i32 to index
      %swap3A_137 = tpu.vector_load %arg8[%swap3A_136] {strides = array<i32>} : memref<32768xi32, #tpu.memory_space<vmem>>, vector<16xi32>,
      tpu.vector_store %arg8[%swap3A_136], %broadcast_in_dim3A_15 {strides = array<i32>} : memref<32768xi32, #tpu.memory_space<vmem>>, vector<16xi32>,
      %mul3A_138 = arith.constant 8 : i32
      %mul3A_139 = arith.muli %scan3A_82, %mul3A_138 : i32
      %add3A_140 = arith.constant 7 : i32
      %add3A_141 = arith.addi %mul3A_139, %add3A_140 : i32
      %mul3A_142 = arith.constant 16 : i32
      %mul3A_143 = arith.muli %add3A_141, %mul3A_142 : i32
      %swap3A_144 = arith.index_cast %mul3A_143 : i32 to index
      %swap3A_145 = tpu.vector_load %arg8[%swap3A_144] {strides = array<i32>} : memref<32768xi32, #tpu.memory_space<vmem>>, vector<16xi32>,
      tpu.vector_store %arg8[%swap3A_144], %broadcast_in_dim3A_15 {strides = array<i32>} : memref<32768xi32, #tpu.memory_space<vmem>>, vector<16xi32>,
    }
    %scan3A_20 = arith.constant 256 : i32
    %iota3A = tpu.iota {dimensions = array<i32: 0>} : vector<16xi32>
    %broadcast_in_dim3A_21 = arith.constant 1 : i32
    %broadcast_in_dim3A_22 = vector.broadcast %broadcast_in_dim3A_21 : i32 to vector<16xi32>
    %lt3A_23 = arith.cmpi slt, %select_n3A, %add3A_13 : i32
    %convert_element_type3A = arith.extui %lt3A_23 : i1 to i32
    %cond3A = arith.constant 0 : i32
    %cond3A_24 = arith.cmpi ne, %convert_element_type3A, %cond3A : i32
    scf.if %cond3A_24 {
      %dma_start3A = arith.constant 0 : i32
      %dma_start3A_82 = tpu.memref_slice %arg2[%select_n3A, %dma_start3A] : memref<10000x10000xi32, #tpu.memory_space<hbm>> -> memref<1x10000xi32, #tpu.memory_space<hbm>>
      %dma_start3A_83 = tpu.memref_squeeze %dma_start3A_82 : memref<1x10000xi32, #tpu.memory_space<hbm>> -> memref<10000xi32, #tpu.memory_space<hbm>>
      %dma_start3A_84 = arith.constant 0 : i32
      %dma_start3A_85 = tpu.memref_slice %arg2[%select_n3A, %dma_start3A_84] : memref<10000x10000xi32, #tpu.memory_space<hbm>> -> memref<1x10000xi32, #tpu.memory_space<hbm>>
      %dma_start3A_86 = tpu.memref_squeeze %dma_start3A_85 : memref<1x10000xi32, #tpu.memory_space<hbm>> -> memref<10000xi32, #tpu.memory_space<hbm>>
      tpu.enqueue_dma source(%dma_start3A_86 : memref<10000xi32, #tpu.memory_space<hbm>>) target(%arg6 : memref<10000xi32, #tpu.memory_space<vmem>>) target_semaphore(%arg11 : memref<!tpu.dma_semaphore, #tpu.memory_space<semaphore_mem>>)
    } else {
    }
    %add3A_25 = arith.constant 1 : i32
    %add3A_26 = arith.addi %select_n3A, %add3A_25 : i32
    %lt3A_27 = arith.cmpi slt, %add3A_26, %add3A_13 : i32
    %convert_element_type3A_28 = arith.extui %lt3A_27 : i1 to i32
    %cond3A_29 = arith.constant 0 : i32
    %cond3A_30 = arith.cmpi ne, %convert_element_type3A_28, %cond3A_29 : i32
    scf.if %cond3A_30 {
      %dma_start3A = arith.constant 0 : i32
      %dma_start3A_82 = tpu.memref_slice %arg2[%add3A_26, %dma_start3A] : memref<10000x10000xi32, #tpu.memory_space<hbm>> -> memref<1x10000xi32, #tpu.memory_space<hbm>>
      %dma_start3A_83 = tpu.memref_squeeze %dma_start3A_82 : memref<1x10000xi32, #tpu.memory_space<hbm>> -> memref<10000xi32, #tpu.memory_space<hbm>>
      %dma_start3A_84 = arith.constant 0 : i32
      %dma_start3A_85 = tpu.memref_slice %arg2[%add3A_26, %dma_start3A_84] : memref<10000x10000xi32, #tpu.memory_space<hbm>> -> memref<1x10000xi32, #tpu.memory_space<hbm>>
      %dma_start3A_86 = tpu.memref_squeeze %dma_start3A_85 : memref<1x10000xi32, #tpu.memory_space<hbm>> -> memref<10000xi32, #tpu.memory_space<hbm>>
      tpu.enqueue_dma source(%dma_start3A_86 : memref<10000xi32, #tpu.memory_space<hbm>>) target(%arg7 : memref<10000xi32, #tpu.memory_space<vmem>>) target_semaphore(%arg12 : memref<!tpu.dma_semaphore, #tpu.memory_space<semaphore_mem>>)
    } else {
    }
    %jit3A_31 = arith.constant 2 : i32
    %div3A = arith.divsi %select_n3A_12, %jit3A_31 : i32
    %sign3A = arith.constant 0 : i32
    %sign3A_32 = arith.cmpi sgt, %select_n3A_12, %sign3A : i32
    %sign3A_33 = arith.extui %sign3A_32 : i1 to i32
    %sign3A_34 = arith.constant 0 : i32
    %sign3A_35 = arith.cmpi slt, %select_n3A_12, %sign3A_34 : i32
    %sign3A_36 = arith.extui %sign3A_35 : i1 to i32
    %sign3A_37 = arith.subi %sign3A_33, %sign3A_36 : i32
    %sign3A_38 = arith.constant 0 : i32
    %sign3A_39 = arith.cmpi sgt, %jit3A_31, %sign3A_38 : i32
    %sign3A_40 = arith.extui %sign3A_39 : i1 to i32
    %sign3A_41 = arith.constant 0 : i32
    %sign3A_42 = arith.cmpi slt, %jit3A_31, %sign3A_41 : i32
    %sign3A_43 = arith.extui %sign3A_42 : i1 to i32
    %sign3A_44 = arith.subi %sign3A_40, %sign3A_43 : i32
    %ne3A = arith.cmpi ne, %sign3A_37, %sign3A_44 : i32
    %rem3A = arith.remsi %select_n3A_12, %jit3A_31 : i32
    %ne3A_45 = arith.constant 0 : i32
    %ne3A_46 = arith.cmpi ne, %rem3A, %ne3A_45 : i32
    %and3A = arith.andi %ne3A, %ne3A_46 : i1
    %sub3A_47 = arith.constant 1 : i32
    %sub3A_48 = arith.subi %div3A, %sub3A_47 : i32
    %select_n3A_49 = arith.select %and3A, %sub3A_48, %div3A : i32
    %broadcast_in_dim3A_50 = arith.constant -1 : i32
    %broadcast_in_dim3A_51 = vector.broadcast %broadcast_in_dim3A_50 : i32 to vector<16xi32>
    %while3A = arith.constant 0 : i32
    %while3A_52 = arith.subi %select_n3A_49, %while3A : i32
    %while3A_53 = arith.addi %while3A, %while3A_52 : i32
    %while3A_54 = arith.constant 1 : i32
    %while3A_55 = arith.divsi %while3A_52, %while3A_54 : i32
    %while3A_56 = arith.muli %while3A_55, %while3A_54 : i32
    %while3A_57 = arith.addi %while3A, %while3A_56 : i32
    %while3A_58 = arith.constant 1 : i32
    %while3A_59 = scf.for %while3A_82 = %while3A to %while3A_57 step %while3A_58 iter_args(%while3A_83 = %broadcast_in_dim3A_51) -> (vector<16xi32>)  : i32 {
      %mul3A_84 = arith.constant 2 : i32
      %mul3A_85 = arith.muli %mul3A_84, %while3A_82 : i32
      %add3A_86 = arith.addi %select_n3A, %mul3A_85 : i32
      %dma_wait3A = arith.constant 0 : i32
      %dma_wait3A_87 = tpu.memref_slice %arg2[%add3A_86, %dma_wait3A] : memref<10000x10000xi32, #tpu.memory_space<hbm>> -> memref<1x10000xi32, #tpu.memory_space<hbm>>
      %dma_wait3A_88 = tpu.memref_squeeze %dma_wait3A_87 : memref<1x10000xi32, #tpu.memory_space<hbm>> -> memref<10000xi32, #tpu.memory_space<hbm>>
      %dma_wait3A_89 = arith.constant 0 : i32
      %dma_wait3A_90 = tpu.memref_slice %arg2[%add3A_86, %dma_wait3A_89] : memref<10000x10000xi32, #tpu.memory_space<hbm>> -> memref<1x10000xi32, #tpu.memory_space<hbm>>
      %dma_wait3A_91 = tpu.memref_squeeze %dma_wait3A_90 : memref<1x10000xi32, #tpu.memory_space<hbm>> -> memref<10000xi32, #tpu.memory_space<hbm>>
      tpu.wait_dma2 semaphore(%arg11 : memref<!tpu.dma_semaphore, #tpu.memory_space<semaphore_mem>>) src(%dma_wait3A_91 : memref<10000xi32, #tpu.memory_space<hbm>>) dst(%arg6 : memref<10000xi32, #tpu.memory_space<vmem>>)
      %mul3A_92 = arith.constant 10000 : i32
      %mul3A_93 = arith.muli %add3A_86, %mul3A_92 : i32
      %parallel_loop3A = arith.constant 0 : i32
      %parallel_loop3A_94 = arith.constant 625 : i32
      %parallel_loop3A_95 = arith.constant 1 : i32
      %parallel_loop3A_96 = scf.for %parallel_loop3A_125 = %parallel_loop3A to %parallel_loop3A_94 step %parallel_loop3A_95 iter_args(%parallel_loop3A_126 = %while3A_83) -> (vector<16xi32>)  : i32 {
        %parallel_loop3A_127 = arith.constant 16 : i32
        %parallel_loop3A_128 = arith.muli %parallel_loop3A_125, %parallel_loop3A_127 : i32
        %parallel_loop3A_129 = arith.index_cast %parallel_loop3A_128 : i32 to index
        %parallel_loop3A_130 = tpu.vector_load %arg6[%parallel_loop3A_129] {strides = array<i32>} : memref<10000xi32, #tpu.memory_space<vmem>>, vector<16xi32>,
        %parallel_loop3A_131 = arith.constant 16 : i32
        %parallel_loop3A_132 = vector.broadcast %parallel_loop3A_131 : i32 to vector<16xi32>
        %parallel_loop3A_133 = arith.shrsi %parallel_loop3A_130, %parallel_loop3A_132 : vector<16xi32>
        %parallel_loop3A_134 = vector.broadcast %squeeze3A : i32 to vector<16xi32>
        %parallel_loop3A_135 = arith.cmpi eq, %parallel_loop3A_133, %parallel_loop3A_134 : vector<16xi32>
        %parallel_loop3A_136 = tpu.all_reduce %parallel_loop3A_135 {dim = 0 : i64, kind = #tpu.reduction_kind<sum>} : vector<16xi1> -> vector<16xi32>
        %parallel_loop3A_137 = tpu.scan <sum>, %broadcast_in_dim3A_22 masked %parallel_loop3A_135 : vector<16xi32>, vector<16xi1> -> vector<16xi32>
        %parallel_loop3A_138 = arith.addi %parallel_loop3A_126, %parallel_loop3A_137 : vector<16xi32>
        %parallel_loop3A_139 = arith.constant 32768 : i32
        %parallel_loop3A_140 = vector.broadcast %parallel_loop3A_139 : i32 to vector<16xi32>
        %parallel_loop3A_141 = arith.cmpi slt, %parallel_loop3A_138, %parallel_loop3A_140 : vector<16xi32>
        %parallel_loop3A_142 = arith.andi %parallel_loop3A_135, %parallel_loop3A_141 : vector<16xi1>
        tpu.vector_store_idx %arg8[%parallel_loop3A_138], %parallel_loop3A_130 masked %parallel_loop3A_142 : memref<32768xi32, #tpu.memory_space<vmem>>[vector<16xi32>], vector<16xi32>, vector<16xi1>
        %parallel_loop3A_143 = arith.addi %mul3A_93, %parallel_loop3A_128 : i32
        %parallel_loop3A_144 = vector.broadcast %parallel_loop3A_143 : i32 to vector<16xi32>
        %parallel_loop3A_145 = arith.addi %parallel_loop3A_144, %iota3A : vector<16xi32>
        tpu.vector_store_idx %arg9[%parallel_loop3A_138], %parallel_loop3A_145 masked %parallel_loop3A_142 : memref<32768xi32, #tpu.memory_space<vmem>>[vector<16xi32>], vector<16xi32>, vector<16xi1>
        %parallel_loop3A_146 = arith.addi %parallel_loop3A_126, %parallel_loop3A_136 : vector<16xi32>
        scf.yield %parallel_loop3A_146 : vector<16xi32>
      } {sc.loop_unroll_factor = 8 : i64, sc.parallel_access}
      %add3A_97 = arith.constant 2 : i32
      %add3A_98 = arith.addi %add3A_86, %add3A_97 : i32
      %lt3A_99 = arith.cmpi slt, %add3A_98, %add3A_13 : i32
      %convert_element_type3A_100 = arith.extui %lt3A_99 : i1 to i32
      %cond3A_101 = arith.constant 0 : i32
      %cond3A_102 = arith.cmpi ne, %convert_element_type3A_100, %cond3A_101 : i32
      scf.if %cond3A_102 {
        %dma_start3A = arith.constant 0 : i32
        %dma_start3A_125 = tpu.memref_slice %arg2[%add3A_98, %dma_start3A] : memref<10000x10000xi32, #tpu.memory_space<hbm>> -> memref<1x10000xi32, #tpu.memory_space<hbm>>
        %dma_start3A_126 = tpu.memref_squeeze %dma_start3A_125 : memref<1x10000xi32, #tpu.memory_space<hbm>> -> memref<10000xi32, #tpu.memory_space<hbm>>
        %dma_start3A_127 = arith.constant 0 : i32
        %dma_start3A_128 = tpu.memref_slice %arg2[%add3A_98, %dma_start3A_127] : memref<10000x10000xi32, #tpu.memory_space<hbm>> -> memref<1x10000xi32, #tpu.memory_space<hbm>>
        %dma_start3A_129 = tpu.memref_squeeze %dma_start3A_128 : memref<1x10000xi32, #tpu.memory_space<hbm>> -> memref<10000xi32, #tpu.memory_space<hbm>>
        tpu.enqueue_dma source(%dma_start3A_129 : memref<10000xi32, #tpu.memory_space<hbm>>) target(%arg6 : memref<10000xi32, #tpu.memory_space<vmem>>) target_semaphore(%arg11 : memref<!tpu.dma_semaphore, #tpu.memory_space<semaphore_mem>>)
      } else {
      }
      %add3A_103 = arith.constant 1 : i32
      %add3A_104 = arith.addi %add3A_86, %add3A_103 : i32
      %dma_wait3A_105 = arith.constant 0 : i32
      %dma_wait3A_106 = tpu.memref_slice %arg2[%add3A_104, %dma_wait3A_105] : memref<10000x10000xi32, #tpu.memory_space<hbm>> -> memref<1x10000xi32, #tpu.memory_space<hbm>>
      %dma_wait3A_107 = tpu.memref_squeeze %dma_wait3A_106 : memref<1x10000xi32, #tpu.memory_space<hbm>> -> memref<10000xi32, #tpu.memory_space<hbm>>
      %dma_wait3A_108 = arith.constant 0 : i32
      %dma_wait3A_109 = tpu.memref_slice %arg2[%add3A_104, %dma_wait3A_108] : memref<10000x10000xi32, #tpu.memory_space<hbm>> -> memref<1x10000xi32, #tpu.memory_space<hbm>>
      %dma_wait3A_110 = tpu.memref_squeeze %dma_wait3A_109 : memref<1x10000xi32, #tpu.memory_space<hbm>> -> memref<10000xi32, #tpu.memory_space<hbm>>
      tpu.wait_dma2 semaphore(%arg12 : memref<!tpu.dma_semaphore, #tpu.memory_space<semaphore_mem>>) src(%dma_wait3A_110 : memref<10000xi32, #tpu.memory_space<hbm>>) dst(%arg7 : memref<10000xi32, #tpu.memory_space<vmem>>)
      %add3A_111 = arith.constant 1 : i32
      %add3A_112 = arith.addi %add3A_86, %add3A_111 : i32
      %mul3A_113 = arith.constant 10000 : i32
      %mul3A_114 = arith.muli %add3A_112, %mul3A_113 : i32
      %parallel_loop3A_115 = arith.constant 0 : i32
      %parallel_loop3A_116 = arith.constant 625 : i32
      %parallel_loop3A_117 = arith.constant 1 : i32
      %parallel_loop3A_118 = scf.for %parallel_loop3A_125 = %parallel_loop3A_115 to %parallel_loop3A_116 step %parallel_loop3A_117 iter_args(%parallel_loop3A_126 = %parallel_loop3A_96) -> (vector<16xi32>)  : i32 {
        %parallel_loop3A_127 = arith.constant 16 : i32
        %parallel_loop3A_128 = arith.muli %parallel_loop3A_125, %parallel_loop3A_127 : i32
        %parallel_loop3A_129 = arith.index_cast %parallel_loop3A_128 : i32 to index
        %parallel_loop3A_130 = tpu.vector_load %arg7[%parallel_loop3A_129] {strides = array<i32>} : memref<10000xi32, #tpu.memory_space<vmem>>, vector<16xi32>,
        %parallel_loop3A_131 = arith.constant 16 : i32
        %parallel_loop3A_132 = vector.broadcast %parallel_loop3A_131 : i32 to vector<16xi32>
        %parallel_loop3A_133 = arith.shrsi %parallel_loop3A_130, %parallel_loop3A_132 : vector<16xi32>
        %parallel_loop3A_134 = vector.broadcast %squeeze3A : i32 to vector<16xi32>
        %parallel_loop3A_135 = arith.cmpi eq, %parallel_loop3A_133, %parallel_loop3A_134 : vector<16xi32>
        %parallel_loop3A_136 = tpu.all_reduce %parallel_loop3A_135 {dim = 0 : i64, kind = #tpu.reduction_kind<sum>} : vector<16xi1> -> vector<16xi32>
        %parallel_loop3A_137 = tpu.scan <sum>, %broadcast_in_dim3A_22 masked %parallel_loop3A_135 : vector<16xi32>, vector<16xi1> -> vector<16xi32>
        %parallel_loop3A_138 = arith.addi %parallel_loop3A_126, %parallel_loop3A_137 : vector<16xi32>
        %parallel_loop3A_139 = arith.constant 32768 : i32
        %parallel_loop3A_140 = vector.broadcast %parallel_loop3A_139 : i32 to vector<16xi32>
        %parallel_loop3A_141 = arith.cmpi slt, %parallel_loop3A_138, %parallel_loop3A_140 : vector<16xi32>
        %parallel_loop3A_142 = arith.andi %parallel_loop3A_135, %parallel_loop3A_141 : vector<16xi1>
        tpu.vector_store_idx %arg8[%parallel_loop3A_138], %parallel_loop3A_130 masked %parallel_loop3A_142 : memref<32768xi32, #tpu.memory_space<vmem>>[vector<16xi32>], vector<16xi32>, vector<16xi1>
        %parallel_loop3A_143 = arith.addi %mul3A_114, %parallel_loop3A_128 : i32
        %parallel_loop3A_144 = vector.broadcast %parallel_loop3A_143 : i32 to vector<16xi32>
        %parallel_loop3A_145 = arith.addi %parallel_loop3A_144, %iota3A : vector<16xi32>
        tpu.vector_store_idx %arg9[%parallel_loop3A_138], %parallel_loop3A_145 masked %parallel_loop3A_142 : memref<32768xi32, #tpu.memory_space<vmem>>[vector<16xi32>], vector<16xi32>, vector<16xi1>
        %parallel_loop3A_146 = arith.addi %parallel_loop3A_126, %parallel_loop3A_136 : vector<16xi32>
        scf.yield %parallel_loop3A_146 : vector<16xi32>
      } {sc.loop_unroll_factor = 8 : i64, sc.parallel_access}
      %add3A_119 = arith.constant 3 : i32
      %add3A_120 = arith.addi %add3A_86, %add3A_119 : i32
      %lt3A_121 = arith.cmpi slt, %add3A_120, %add3A_13 : i32
      %convert_element_type3A_122 = arith.extui %lt3A_121 : i1 to i32
      %cond3A_123 = arith.constant 0 : i32
      %cond3A_124 = arith.cmpi ne, %convert_element_type3A_122, %cond3A_123 : i32
      scf.if %cond3A_124 {
        %dma_start3A = arith.constant 0 : i32
        %dma_start3A_125 = tpu.memref_slice %arg2[%add3A_120, %dma_start3A] : memref<10000x10000xi32, #tpu.memory_space<hbm>> -> memref<1x10000xi32, #tpu.memory_space<hbm>>
        %dma_start3A_126 = tpu.memref_squeeze %dma_start3A_125 : memref<1x10000xi32, #tpu.memory_space<hbm>> -> memref<10000xi32, #tpu.memory_space<hbm>>
        %dma_start3A_127 = arith.constant 0 : i32
        %dma_start3A_128 = tpu.memref_slice %arg2[%add3A_120, %dma_start3A_127] : memref<10000x10000xi32, #tpu.memory_space<hbm>> -> memref<1x10000xi32, #tpu.memory_space<hbm>>
        %dma_start3A_129 = tpu.memref_squeeze %dma_start3A_128 : memref<1x10000xi32, #tpu.memory_space<hbm>> -> memref<10000xi32, #tpu.memory_space<hbm>>
        tpu.enqueue_dma source(%dma_start3A_129 : memref<10000xi32, #tpu.memory_space<hbm>>) target(%arg7 : memref<10000xi32, #tpu.memory_space<vmem>>) target_semaphore(%arg12 : memref<!tpu.dma_semaphore, #tpu.memory_space<semaphore_mem>>)
      } else {
      }
      scf.yield %parallel_loop3A_118 : vector<16xi32>
    }
    %while3A_60 = arith.constant 1 : i32
    %while3A_61 = scf.for %while3A_82 = %while3A_57 to %while3A_53 step %while3A_60 iter_args(%while3A_83 = %while3A_59) -> (vector<16xi32>)  : i32 {
      %mul3A_84 = arith.constant 2 : i32
      %mul3A_85 = arith.muli %mul3A_84, %while3A_82 : i32
      %add3A_86 = arith.addi %select_n3A, %mul3A_85 : i32
      %dma_wait3A = arith.constant 0 : i32
      %dma_wait3A_87 = tpu.memref_slice %arg2[%add3A_86, %dma_wait3A] : memref<10000x10000xi32, #tpu.memory_space<hbm>> -> memref<1x10000xi32, #tpu.memory_space<hbm>>
      %dma_wait3A_88 = tpu.memref_squeeze %dma_wait3A_87 : memref<1x10000xi32, #tpu.memory_space<hbm>> -> memref<10000xi32, #tpu.memory_space<hbm>>
      %dma_wait3A_89 = arith.constant 0 : i32
      %dma_wait3A_90 = tpu.memref_slice %arg2[%add3A_86, %dma_wait3A_89] : memref<10000x10000xi32, #tpu.memory_space<hbm>> -> memref<1x10000xi32, #tpu.memory_space<hbm>>
      %dma_wait3A_91 = tpu.memref_squeeze %dma_wait3A_90 : memref<1x10000xi32, #tpu.memory_space<hbm>> -> memref<10000xi32, #tpu.memory_space<hbm>>
      tpu.wait_dma2 semaphore(%arg11 : memref<!tpu.dma_semaphore, #tpu.memory_space<semaphore_mem>>) src(%dma_wait3A_91 : memref<10000xi32, #tpu.memory_space<hbm>>) dst(%arg6 : memref<10000xi32, #tpu.memory_space<vmem>>)
      %mul3A_92 = arith.constant 10000 : i32
      %mul3A_93 = arith.muli %add3A_86, %mul3A_92 : i32
      %parallel_loop3A = arith.constant 0 : i32
      %parallel_loop3A_94 = arith.constant 625 : i32
      %parallel_loop3A_95 = arith.constant 1 : i32
      %parallel_loop3A_96 = scf.for %parallel_loop3A_125 = %parallel_loop3A to %parallel_loop3A_94 step %parallel_loop3A_95 iter_args(%parallel_loop3A_126 = %while3A_83) -> (vector<16xi32>)  : i32 {
        %parallel_loop3A_127 = arith.constant 16 : i32
        %parallel_loop3A_128 = arith.muli %parallel_loop3A_125, %parallel_loop3A_127 : i32
        %parallel_loop3A_129 = arith.index_cast %parallel_loop3A_128 : i32 to index
        %parallel_loop3A_130 = tpu.vector_load %arg6[%parallel_loop3A_129] {strides = array<i32>} : memref<10000xi32, #tpu.memory_space<vmem>>, vector<16xi32>,
        %parallel_loop3A_131 = arith.constant 16 : i32
        %parallel_loop3A_132 = vector.broadcast %parallel_loop3A_131 : i32 to vector<16xi32>
        %parallel_loop3A_133 = arith.shrsi %parallel_loop3A_130, %parallel_loop3A_132 : vector<16xi32>
        %parallel_loop3A_134 = vector.broadcast %squeeze3A : i32 to vector<16xi32>
        %parallel_loop3A_135 = arith.cmpi eq, %parallel_loop3A_133, %parallel_loop3A_134 : vector<16xi32>
        %parallel_loop3A_136 = tpu.all_reduce %parallel_loop3A_135 {dim = 0 : i64, kind = #tpu.reduction_kind<sum>} : vector<16xi1> -> vector<16xi32>
        %parallel_loop3A_137 = tpu.scan <sum>, %broadcast_in_dim3A_22 masked %parallel_loop3A_135 : vector<16xi32>, vector<16xi1> -> vector<16xi32>
        %parallel_loop3A_138 = arith.addi %parallel_loop3A_126, %parallel_loop3A_137 : vector<16xi32>
        %parallel_loop3A_139 = arith.constant 32768 : i32
        %parallel_loop3A_140 = vector.broadcast %parallel_loop3A_139 : i32 to vector<16xi32>
        %parallel_loop3A_141 = arith.cmpi slt, %parallel_loop3A_138, %parallel_loop3A_140 : vector<16xi32>
        %parallel_loop3A_142 = arith.andi %parallel_loop3A_135, %parallel_loop3A_141 : vector<16xi1>
        tpu.vector_store_idx %arg8[%parallel_loop3A_138], %parallel_loop3A_130 masked %parallel_loop3A_142 : memref<32768xi32, #tpu.memory_space<vmem>>[vector<16xi32>], vector<16xi32>, vector<16xi1>
        %parallel_loop3A_143 = arith.addi %mul3A_93, %parallel_loop3A_128 : i32
        %parallel_loop3A_144 = vector.broadcast %parallel_loop3A_143 : i32 to vector<16xi32>
        %parallel_loop3A_145 = arith.addi %parallel_loop3A_144, %iota3A : vector<16xi32>
        tpu.vector_store_idx %arg9[%parallel_loop3A_138], %parallel_loop3A_145 masked %parallel_loop3A_142 : memref<32768xi32, #tpu.memory_space<vmem>>[vector<16xi32>], vector<16xi32>, vector<16xi1>
        %parallel_loop3A_146 = arith.addi %parallel_loop3A_126, %parallel_loop3A_136 : vector<16xi32>
        scf.yield %parallel_loop3A_146 : vector<16xi32>
      } {sc.loop_unroll_factor = 8 : i64, sc.parallel_access}
      %add3A_97 = arith.constant 2 : i32
      %add3A_98 = arith.addi %add3A_86, %add3A_97 : i32
      %lt3A_99 = arith.cmpi slt, %add3A_98, %add3A_13 : i32
      %convert_element_type3A_100 = arith.extui %lt3A_99 : i1 to i32
      %cond3A_101 = arith.constant 0 : i32
      %cond3A_102 = arith.cmpi ne, %convert_element_type3A_100, %cond3A_101 : i32
      scf.if %cond3A_102 {
        %dma_start3A = arith.constant 0 : i32
        %dma_start3A_125 = tpu.memref_slice %arg2[%add3A_98, %dma_start3A] : memref<10000x10000xi32, #tpu.memory_space<hbm>> -> memref<1x10000xi32, #tpu.memory_space<hbm>>
        %dma_start3A_126 = tpu.memref_squeeze %dma_start3A_125 : memref<1x10000xi32, #tpu.memory_space<hbm>> -> memref<10000xi32, #tpu.memory_space<hbm>>
        %dma_start3A_127 = arith.constant 0 : i32
        %dma_start3A_128 = tpu.memref_slice %arg2[%add3A_98, %dma_start3A_127] : memref<10000x10000xi32, #tpu.memory_space<hbm>> -> memref<1x10000xi32, #tpu.memory_space<hbm>>
        %dma_start3A_129 = tpu.memref_squeeze %dma_start3A_128 : memref<1x10000xi32, #tpu.memory_space<hbm>> -> memref<10000xi32, #tpu.memory_space<hbm>>
        tpu.enqueue_dma source(%dma_start3A_129 : memref<10000xi32, #tpu.memory_space<hbm>>) target(%arg6 : memref<10000xi32, #tpu.memory_space<vmem>>) target_semaphore(%arg11 : memref<!tpu.dma_semaphore, #tpu.memory_space<semaphore_mem>>)
      } else {
      }
      %add3A_103 = arith.constant 1 : i32
      %add3A_104 = arith.addi %add3A_86, %add3A_103 : i32
      %dma_wait3A_105 = arith.constant 0 : i32
      %dma_wait3A_106 = tpu.memref_slice %arg2[%add3A_104, %dma_wait3A_105] : memref<10000x10000xi32, #tpu.memory_space<hbm>> -> memref<1x10000xi32, #tpu.memory_space<hbm>>
      %dma_wait3A_107 = tpu.memref_squeeze %dma_wait3A_106 : memref<1x10000xi32, #tpu.memory_space<hbm>> -> memref<10000xi32, #tpu.memory_space<hbm>>
      %dma_wait3A_108 = arith.constant 0 : i32
      %dma_wait3A_109 = tpu.memref_slice %arg2[%add3A_104, %dma_wait3A_108] : memref<10000x10000xi32, #tpu.memory_space<hbm>> -> memref<1x10000xi32, #tpu.memory_space<hbm>>
      %dma_wait3A_110 = tpu.memref_squeeze %dma_wait3A_109 : memref<1x10000xi32, #tpu.memory_space<hbm>> -> memref<10000xi32, #tpu.memory_space<hbm>>
      tpu.wait_dma2 semaphore(%arg12 : memref<!tpu.dma_semaphore, #tpu.memory_space<semaphore_mem>>) src(%dma_wait3A_110 : memref<10000xi32, #tpu.memory_space<hbm>>) dst(%arg7 : memref<10000xi32, #tpu.memory_space<vmem>>)
      %add3A_111 = arith.constant 1 : i32
      %add3A_112 = arith.addi %add3A_86, %add3A_111 : i32
      %mul3A_113 = arith.constant 10000 : i32
      %mul3A_114 = arith.muli %add3A_112, %mul3A_113 : i32
      %parallel_loop3A_115 = arith.constant 0 : i32
      %parallel_loop3A_116 = arith.constant 625 : i32
      %parallel_loop3A_117 = arith.constant 1 : i32
      %parallel_loop3A_118 = scf.for %parallel_loop3A_125 = %parallel_loop3A_115 to %parallel_loop3A_116 step %parallel_loop3A_117 iter_args(%parallel_loop3A_126 = %parallel_loop3A_96) -> (vector<16xi32>)  : i32 {
        %parallel_loop3A_127 = arith.constant 16 : i32
        %parallel_loop3A_128 = arith.muli %parallel_loop3A_125, %parallel_loop3A_127 : i32
        %parallel_loop3A_129 = arith.index_cast %parallel_loop3A_128 : i32 to index
        %parallel_loop3A_130 = tpu.vector_load %arg7[%parallel_loop3A_129] {strides = array<i32>} : memref<10000xi32, #tpu.memory_space<vmem>>, vector<16xi32>,
        %parallel_loop3A_131 = arith.constant 16 : i32
        %parallel_loop3A_132 = vector.broadcast %parallel_loop3A_131 : i32 to vector<16xi32>
        %parallel_loop3A_133 = arith.shrsi %parallel_loop3A_130, %parallel_loop3A_132 : vector<16xi32>
        %parallel_loop3A_134 = vector.broadcast %squeeze3A : i32 to vector<16xi32>
        %parallel_loop3A_135 = arith.cmpi eq, %parallel_loop3A_133, %parallel_loop3A_134 : vector<16xi32>
        %parallel_loop3A_136 = tpu.all_reduce %parallel_loop3A_135 {dim = 0 : i64, kind = #tpu.reduction_kind<sum>} : vector<16xi1> -> vector<16xi32>
        %parallel_loop3A_137 = tpu.scan <sum>, %broadcast_in_dim3A_22 masked %parallel_loop3A_135 : vector<16xi32>, vector<16xi1> -> vector<16xi32>
        %parallel_loop3A_138 = arith.addi %parallel_loop3A_126, %parallel_loop3A_137 : vector<16xi32>
        %parallel_loop3A_139 = arith.constant 32768 : i32
        %parallel_loop3A_140 = vector.broadcast %parallel_loop3A_139 : i32 to vector<16xi32>
        %parallel_loop3A_141 = arith.cmpi slt, %parallel_loop3A_138, %parallel_loop3A_140 : vector<16xi32>
        %parallel_loop3A_142 = arith.andi %parallel_loop3A_135, %parallel_loop3A_141 : vector<16xi1>
        tpu.vector_store_idx %arg8[%parallel_loop3A_138], %parallel_loop3A_130 masked %parallel_loop3A_142 : memref<32768xi32, #tpu.memory_space<vmem>>[vector<16xi32>], vector<16xi32>, vector<16xi1>
        %parallel_loop3A_143 = arith.addi %mul3A_114, %parallel_loop3A_128 : i32
        %parallel_loop3A_144 = vector.broadcast %parallel_loop3A_143 : i32 to vector<16xi32>
        %parallel_loop3A_145 = arith.addi %parallel_loop3A_144, %iota3A : vector<16xi32>
        tpu.vector_store_idx %arg9[%parallel_loop3A_138], %parallel_loop3A_145 masked %parallel_loop3A_142 : memref<32768xi32, #tpu.memory_space<vmem>>[vector<16xi32>], vector<16xi32>, vector<16xi1>
        %parallel_loop3A_146 = arith.addi %parallel_loop3A_126, %parallel_loop3A_136 : vector<16xi32>
        scf.yield %parallel_loop3A_146 : vector<16xi32>
      } {sc.loop_unroll_factor = 8 : i64, sc.parallel_access}
      %add3A_119 = arith.constant 3 : i32
      %add3A_120 = arith.addi %add3A_86, %add3A_119 : i32
      %lt3A_121 = arith.cmpi slt, %add3A_120, %add3A_13 : i32
      %convert_element_type3A_122 = arith.extui %lt3A_121 : i1 to i32
      %cond3A_123 = arith.constant 0 : i32
      %cond3A_124 = arith.cmpi ne, %convert_element_type3A_122, %cond3A_123 : i32
      scf.if %cond3A_124 {
        %dma_start3A = arith.constant 0 : i32
        %dma_start3A_125 = tpu.memref_slice %arg2[%add3A_120, %dma_start3A] : memref<10000x10000xi32, #tpu.memory_space<hbm>> -> memref<1x10000xi32, #tpu.memory_space<hbm>>
        %dma_start3A_126 = tpu.memref_squeeze %dma_start3A_125 : memref<1x10000xi32, #tpu.memory_space<hbm>> -> memref<10000xi32, #tpu.memory_space<hbm>>
        %dma_start3A_127 = arith.constant 0 : i32
        %dma_start3A_128 = tpu.memref_slice %arg2[%add3A_120, %dma_start3A_127] : memref<10000x10000xi32, #tpu.memory_space<hbm>> -> memref<1x10000xi32, #tpu.memory_space<hbm>>
        %dma_start3A_129 = tpu.memref_squeeze %dma_start3A_128 : memref<1x10000xi32, #tpu.memory_space<hbm>> -> memref<10000xi32, #tpu.memory_space<hbm>>
        tpu.enqueue_dma source(%dma_start3A_129 : memref<10000xi32, #tpu.memory_space<hbm>>) target(%arg7 : memref<10000xi32, #tpu.memory_space<vmem>>) target_semaphore(%arg12 : memref<!tpu.dma_semaphore, #tpu.memory_space<semaphore_mem>>)
      } else {
      }
      scf.yield %parallel_loop3A_118 : vector<16xi32>
    }
    %jit3A_62 = arith.constant 2 : i32
    %eq3A = arith.constant 0 : i32
    %eq3A_63 = arith.cmpi eq, %jit3A_62, %eq3A : i32
    %jit3A_64 = arith.constant 1 : i32
    %select_n3A_65 = arith.select %eq3A_63, %jit3A_64, %jit3A_62 : i32
    %rem3A_66 = arith.remsi %select_n3A_12, %select_n3A_65 : i32
    %ne3A_67 = arith.constant 0 : i32
    %ne3A_68 = arith.cmpi ne, %rem3A_66, %ne3A_67 : i32
    %lt3A_69 = arith.constant 0 : i32
    %lt3A_70 = arith.cmpi slt, %rem3A_66, %lt3A_69 : i32
    %lt3A_71 = arith.constant 0 : i32
    %lt3A_72 = arith.cmpi slt, %select_n3A_65, %lt3A_71 : i32
    %ne3A_73 = arith.xori %lt3A_70, %lt3A_72 : i1
    %and3A_74 = arith.andi %ne3A_73, %ne3A_68 : i1
    %add3A_75 = arith.addi %rem3A_66, %select_n3A_65 : i32
    %select_n3A_76 = arith.select %and3A_74, %add3A_75, %rem3A_66 : i32
    %eq3A_77 = arith.constant 1 : i32
    %eq3A_78 = arith.cmpi eq, %select_n3A_76, %eq3A_77 : i32
    %convert_element_type3A_79 = arith.extui %eq3A_78 : i1 to i32
    %cond3A_80 = arith.constant 0 : i32
    %cond3A_81 = arith.cmpi ne, %convert_element_type3A_79, %cond3A_80 : i32
    scf.if %cond3A_81 {
      %sub3A_82 = arith.constant 1 : i32
      %sub3A_83 = arith.subi %add3A_13, %sub3A_82 : i32
      %dma_wait3A = arith.constant 0 : i32
      %dma_wait3A_84 = tpu.memref_slice %arg2[%sub3A_83, %dma_wait3A] : memref<10000x10000xi32, #tpu.memory_space<hbm>> -> memref<1x10000xi32, #tpu.memory_space<hbm>>
      %dma_wait3A_85 = tpu.memref_squeeze %dma_wait3A_84 : memref<1x10000xi32, #tpu.memory_space<hbm>> -> memref<10000xi32, #tpu.memory_space<hbm>>
      %dma_wait3A_86 = arith.constant 0 : i32
      %dma_wait3A_87 = tpu.memref_slice %arg2[%sub3A_83, %dma_wait3A_86] : memref<10000x10000xi32, #tpu.memory_space<hbm>> -> memref<1x10000xi32, #tpu.memory_space<hbm>>
      %dma_wait3A_88 = tpu.memref_squeeze %dma_wait3A_87 : memref<1x10000xi32, #tpu.memory_space<hbm>> -> memref<10000xi32, #tpu.memory_space<hbm>>
      tpu.wait_dma2 semaphore(%arg11 : memref<!tpu.dma_semaphore, #tpu.memory_space<semaphore_mem>>) src(%dma_wait3A_88 : memref<10000xi32, #tpu.memory_space<hbm>>) dst(%arg6 : memref<10000xi32, #tpu.memory_space<vmem>>)
      %sub3A_89 = arith.constant 1 : i32
      %sub3A_90 = arith.subi %add3A_13, %sub3A_89 : i32
      %mul3A_91 = arith.constant 10000 : i32
      %mul3A_92 = arith.muli %sub3A_90, %mul3A_91 : i32
      %parallel_loop3A = arith.constant 0 : i32
      %parallel_loop3A_93 = arith.constant 625 : i32
      %parallel_loop3A_94 = arith.constant 1 : i32
      %parallel_loop3A_95 = scf.for %parallel_loop3A_96 = %parallel_loop3A to %parallel_loop3A_93 step %parallel_loop3A_94 iter_args(%parallel_loop3A_97 = %while3A_61) -> (vector<16xi32>)  : i32 {
        %parallel_loop3A_98 = arith.constant 16 : i32
        %parallel_loop3A_99 = arith.muli %parallel_loop3A_96, %parallel_loop3A_98 : i32
        %parallel_loop3A_100 = arith.index_cast %parallel_loop3A_99 : i32 to index
        %parallel_loop3A_101 = tpu.vector_load %arg6[%parallel_loop3A_100] {strides = array<i32>} : memref<10000xi32, #tpu.memory_space<vmem>>, vector<16xi32>,
        %parallel_loop3A_102 = arith.constant 16 : i32
        %parallel_loop3A_103 = vector.broadcast %parallel_loop3A_102 : i32 to vector<16xi32>
        %parallel_loop3A_104 = arith.shrsi %parallel_loop3A_101, %parallel_loop3A_103 : vector<16xi32>
        %parallel_loop3A_105 = vector.broadcast %squeeze3A : i32 to vector<16xi32>
        %parallel_loop3A_106 = arith.cmpi eq, %parallel_loop3A_104, %parallel_loop3A_105 : vector<16xi32>
        %parallel_loop3A_107 = tpu.all_reduce %parallel_loop3A_106 {dim = 0 : i64, kind = #tpu.reduction_kind<sum>} : vector<16xi1> -> vector<16xi32>
        %parallel_loop3A_108 = tpu.scan <sum>, %broadcast_in_dim3A_22 masked %parallel_loop3A_106 : vector<16xi32>, vector<16xi1> -> vector<16xi32>
        %parallel_loop3A_109 = arith.addi %parallel_loop3A_97, %parallel_loop3A_108 : vector<16xi32>
        %parallel_loop3A_110 = arith.constant 32768 : i32
        %parallel_loop3A_111 = vector.broadcast %parallel_loop3A_110 : i32 to vector<16xi32>
        %parallel_loop3A_112 = arith.cmpi slt, %parallel_loop3A_109, %parallel_loop3A_111 : vector<16xi32>
        %parallel_loop3A_113 = arith.andi %parallel_loop3A_106, %parallel_loop3A_112 : vector<16xi1>
        tpu.vector_store_idx %arg8[%parallel_loop3A_109], %parallel_loop3A_101 masked %parallel_loop3A_113 : memref<32768xi32, #tpu.memory_space<vmem>>[vector<16xi32>], vector<16xi32>, vector<16xi1>
        %parallel_loop3A_114 = arith.addi %mul3A_92, %parallel_loop3A_99 : i32
        %parallel_loop3A_115 = vector.broadcast %parallel_loop3A_114 : i32 to vector<16xi32>
        %parallel_loop3A_116 = arith.addi %parallel_loop3A_115, %iota3A : vector<16xi32>
        tpu.vector_store_idx %arg9[%parallel_loop3A_109], %parallel_loop3A_116 masked %parallel_loop3A_113 : memref<32768xi32, #tpu.memory_space<vmem>>[vector<16xi32>], vector<16xi32>, vector<16xi1>
        %parallel_loop3A_117 = arith.addi %parallel_loop3A_97, %parallel_loop3A_107 : vector<16xi32>
        scf.yield %parallel_loop3A_117 : vector<16xi32>
      } {sc.loop_unroll_factor = 8 : i64, sc.parallel_access}
    } else {
    }
    "tpu.region"() ({
      %run_scoped3A = tpu.sem_alloc : memref<!tpu.dma_semaphore, #tpu.memory_space<semaphore_mem>>
      %dma_start3A = arith.constant 0 : i32
      %dma_start3A_82 = tpu.memref_slice %arg4[%add3A, %dma_start3A] : memref<32x32768xi32, #tpu.memory_space<hbm>> -> memref<1x32768xi32, #tpu.memory_space<hbm>>
      %dma_start3A_83 = tpu.memref_squeeze %dma_start3A_82 : memref<1x32768xi32, #tpu.memory_space<hbm>> -> memref<32768xi32, #tpu.memory_space<hbm>>
      %dma_start3A_84 = arith.constant 0 : i32
      %dma_start3A_85 = tpu.memref_slice %arg4[%add3A, %dma_start3A_84] : memref<32x32768xi32, #tpu.memory_space<hbm>> -> memref<1x32768xi32, #tpu.memory_space<hbm>>
      %dma_start3A_86 = tpu.memref_squeeze %dma_start3A_85 : memref<1x32768xi32, #tpu.memory_space<hbm>> -> memref<32768xi32, #tpu.memory_space<hbm>>
      tpu.enqueue_dma source(%arg8 : memref<32768xi32, #tpu.memory_space<vmem>>) target(%dma_start3A_86 : memref<32768xi32, #tpu.memory_space<hbm>>) target_semaphore(%run_scoped3A : memref<!tpu.dma_semaphore, #tpu.memory_space<semaphore_mem>>)
      %dma_wait3A = arith.constant 0 : i32
      %dma_wait3A_87 = tpu.memref_slice %arg4[%add3A, %dma_wait3A] : memref<32x32768xi32, #tpu.memory_space<hbm>> -> memref<1x32768xi32, #tpu.memory_space<hbm>>
      %dma_wait3A_88 = tpu.memref_squeeze %dma_wait3A_87 : memref<1x32768xi32, #tpu.memory_space<hbm>> -> memref<32768xi32, #tpu.memory_space<hbm>>
      %dma_wait3A_89 = arith.constant 0 : i32
      %dma_wait3A_90 = tpu.memref_slice %arg4[%add3A, %dma_wait3A_89] : memref<32x32768xi32, #tpu.memory_space<hbm>> -> memref<1x32768xi32, #tpu.memory_space<hbm>>
      %dma_wait3A_91 = tpu.memref_squeeze %dma_wait3A_90 : memref<1x32768xi32, #tpu.memory_space<hbm>> -> memref<32768xi32, #tpu.memory_space<hbm>>
      tpu.wait_dma2 semaphore(%run_scoped3A : memref<!tpu.dma_semaphore, #tpu.memory_space<semaphore_mem>>) src(%arg8 : memref<32768xi32, #tpu.memory_space<vmem>>) dst(%dma_wait3A_91 : memref<32768xi32, #tpu.memory_space<hbm>>)
      tpu.yield
    }) : () -> ()
    "tpu.region"() ({
      %run_scoped3A = tpu.sem_alloc : memref<!tpu.dma_semaphore, #tpu.memory_space<semaphore_mem>>
      %dma_start3A = arith.constant 0 : i32
      %dma_start3A_82 = tpu.memref_slice %arg5[%add3A, %dma_start3A] : memref<32x32768xi32, #tpu.memory_space<hbm>> -> memref<1x32768xi32, #tpu.memory_space<hbm>>
      %dma_start3A_83 = tpu.memref_squeeze %dma_start3A_82 : memref<1x32768xi32, #tpu.memory_space<hbm>> -> memref<32768xi32, #tpu.memory_space<hbm>>
      %dma_start3A_84 = arith.constant 0 : i32
      %dma_start3A_85 = tpu.memref_slice %arg5[%add3A, %dma_start3A_84] : memref<32x32768xi32, #tpu.memory_space<hbm>> -> memref<1x32768xi32, #tpu.memory_space<hbm>>
      %dma_start3A_86 = tpu.memref_squeeze %dma_start3A_85 : memref<1x32768xi32, #tpu.memory_space<hbm>> -> memref<32768xi32, #tpu.memory_space<hbm>>
      tpu.enqueue_dma source(%arg9 : memref<32768xi32, #tpu.memory_space<vmem>>) target(%dma_start3A_86 : memref<32768xi32, #tpu.memory_space<hbm>>) target_semaphore(%run_scoped3A : memref<!tpu.dma_semaphore, #tpu.memory_space<semaphore_mem>>)
      %dma_wait3A = arith.constant 0 : i32
      %dma_wait3A_87 = tpu.memref_slice %arg5[%add3A, %dma_wait3A] : memref<32x32768xi32, #tpu.memory_space<hbm>> -> memref<1x32768xi32, #tpu.memory_space<hbm>>
      %dma_wait3A_88 = tpu.memref_squeeze %dma_wait3A_87 : memref<1x32768xi32, #tpu.memory_space<hbm>> -> memref<32768xi32, #tpu.memory_space<hbm>>
      %dma_wait3A_89 = arith.constant 0 : i32
      %dma_wait3A_90 = tpu.memref_slice %arg5[%add3A, %dma_wait3A_89] : memref<32x32768xi32, #tpu.memory_space<hbm>> -> memref<1x32768xi32, #tpu.memory_space<hbm>>
      %dma_wait3A_91 = tpu.memref_squeeze %dma_wait3A_90 : memref<1x32768xi32, #tpu.memory_space<hbm>> -> memref<32768xi32, #tpu.memory_space<hbm>>
      tpu.wait_dma2 semaphore(%run_scoped3A : memref<!tpu.dma_semaphore, #tpu.memory_space<semaphore_mem>>) src(%arg9 : memref<32768xi32, #tpu.memory_space<vmem>>) dst(%dma_wait3A_91 : memref<32768xi32, #tpu.memory_space<hbm>>)
      tpu.yield
    }) : () -> ()
    return
  }
}

#map = affine_map<(d0, d1) -> (0, 0)>
module attributes {stable_mosaic.version = 14 : i64} {
  func.func @_sc_hist(%arg0: i32, %arg1: i32, %arg2: memref<10000x10000xi32, #tpu.memory_space<hbm>>, %arg3: memref<32x16384xi32, #tpu.memory_space<hbm>>, %arg4: memref<10000xi32, #tpu.memory_space<vmem>>, %arg5: memref<10000xi32, #tpu.memory_space<vmem>>, %arg6: memref<16384xi32, #tpu.memory_space<vmem>>, %arg7: memref<!tpu.dma_semaphore, #tpu.memory_space<semaphore_mem>>, %arg8: memref<!tpu.dma_semaphore, #tpu.memory_space<semaphore_mem>>) attributes {dimension_semantics = [#tpu.dimension_semantics<core_parallel>, #tpu.dimension_semantics<subcore_parallel>], iteration_bounds = array<i64: 2, 16>, scalar_prefetch = 0 : i64, scratch_operands = 5 : i64, tpu.core_type = #tpu.core_type<sc_vector_subcore>, window_params = [{transform_indices = #map}, {transform_indices = #map}]} {
    %mul3A = arith.constant 2 : i32
    %mul3A_0 = arith.muli %arg1, %mul3A : i32
    %add3A = arith.addi %mul3A_0, %arg0 : i32
    %lt3A = arith.constant 16 : i32
    %lt3A_1 = arith.cmpi slt, %add3A, %lt3A : i32
    %mul3A_2 = arith.constant 313 : i32
    %mul3A_3 = arith.muli %add3A, %mul3A_2 : i32
    %sub3A = arith.constant 16 : i32
    %sub3A_4 = arith.subi %add3A, %sub3A : i32
    %mul3A_5 = arith.constant 312 : i32
    %mul3A_6 = arith.muli %sub3A_4, %mul3A_5 : i32
    %add3A_7 = arith.constant 5008 : i32
    %add3A_8 = arith.addi %add3A_7, %mul3A_6 : i32
    %select_n3A = arith.select %lt3A_1, %mul3A_3, %add3A_8 : i32
    %lt3A_9 = arith.constant 16 : i32
    %lt3A_10 = arith.cmpi slt, %add3A, %lt3A_9 : i32
    %jit3A = arith.constant 313 : i32
    %jit3A_11 = arith.constant 312 : i32
    %select_n3A_12 = arith.select %lt3A_10, %jit3A, %jit3A_11 : i32
    %add3A_13 = arith.addi %select_n3A, %select_n3A_12 : i32
    %broadcast_in_dim3A = arith.constant 0 : i32
    %broadcast_in_dim3A_14 = vector.broadcast %broadcast_in_dim3A : i32 to vector<16xi32>
    %scan3A = arith.constant 0 : i32
    %scan3A_15 = arith.constant 0 : i32
    %scan3A_16 = arith.constant 128 : i32
    %scan3A_17 = arith.addi %scan3A_15, %scan3A_16 : i32
    %scan3A_18 = arith.constant 1 : i32
    scf.for %scan3A_78 = %scan3A_15 to %scan3A_17 step %scan3A_18  : i32 {
      %mul3A_79 = arith.constant 8 : i32
      %mul3A_80 = arith.muli %scan3A_78, %mul3A_79 : i32
      %add3A_81 = arith.constant 0 : i32
      %add3A_82 = arith.addi %mul3A_80, %add3A_81 : i32
      %mul3A_83 = arith.constant 16 : i32
      %mul3A_84 = arith.muli %add3A_82, %mul3A_83 : i32
      %swap3A = arith.index_cast %mul3A_84 : i32 to index
      %swap3A_85 = tpu.vector_load %arg6[%swap3A] {strides = array<i32>} : memref<16384xi32, #tpu.memory_space<vmem>>, vector<16xi32>,
      tpu.vector_store %arg6[%swap3A], %broadcast_in_dim3A_14 {strides = array<i32>} : memref<16384xi32, #tpu.memory_space<vmem>>, vector<16xi32>,
      %mul3A_86 = arith.constant 8 : i32
      %mul3A_87 = arith.muli %scan3A_78, %mul3A_86 : i32
      %add3A_88 = arith.constant 1 : i32
      %add3A_89 = arith.addi %mul3A_87, %add3A_88 : i32
      %mul3A_90 = arith.constant 16 : i32
      %mul3A_91 = arith.muli %add3A_89, %mul3A_90 : i32
      %swap3A_92 = arith.index_cast %mul3A_91 : i32 to index
      %swap3A_93 = tpu.vector_load %arg6[%swap3A_92] {strides = array<i32>} : memref<16384xi32, #tpu.memory_space<vmem>>, vector<16xi32>,
      tpu.vector_store %arg6[%swap3A_92], %broadcast_in_dim3A_14 {strides = array<i32>} : memref<16384xi32, #tpu.memory_space<vmem>>, vector<16xi32>,
      %mul3A_94 = arith.constant 8 : i32
      %mul3A_95 = arith.muli %scan3A_78, %mul3A_94 : i32
      %add3A_96 = arith.constant 2 : i32
      %add3A_97 = arith.addi %mul3A_95, %add3A_96 : i32
      %mul3A_98 = arith.constant 16 : i32
      %mul3A_99 = arith.muli %add3A_97, %mul3A_98 : i32
      %swap3A_100 = arith.index_cast %mul3A_99 : i32 to index
      %swap3A_101 = tpu.vector_load %arg6[%swap3A_100] {strides = array<i32>} : memref<16384xi32, #tpu.memory_space<vmem>>, vector<16xi32>,
      tpu.vector_store %arg6[%swap3A_100], %broadcast_in_dim3A_14 {strides = array<i32>} : memref<16384xi32, #tpu.memory_space<vmem>>, vector<16xi32>,
      %mul3A_102 = arith.constant 8 : i32
      %mul3A_103 = arith.muli %scan3A_78, %mul3A_102 : i32
      %add3A_104 = arith.constant 3 : i32
      %add3A_105 = arith.addi %mul3A_103, %add3A_104 : i32
      %mul3A_106 = arith.constant 16 : i32
      %mul3A_107 = arith.muli %add3A_105, %mul3A_106 : i32
      %swap3A_108 = arith.index_cast %mul3A_107 : i32 to index
      %swap3A_109 = tpu.vector_load %arg6[%swap3A_108] {strides = array<i32>} : memref<16384xi32, #tpu.memory_space<vmem>>, vector<16xi32>,
      tpu.vector_store %arg6[%swap3A_108], %broadcast_in_dim3A_14 {strides = array<i32>} : memref<16384xi32, #tpu.memory_space<vmem>>, vector<16xi32>,
      %mul3A_110 = arith.constant 8 : i32
      %mul3A_111 = arith.muli %scan3A_78, %mul3A_110 : i32
      %add3A_112 = arith.constant 4 : i32
      %add3A_113 = arith.addi %mul3A_111, %add3A_112 : i32
      %mul3A_114 = arith.constant 16 : i32
      %mul3A_115 = arith.muli %add3A_113, %mul3A_114 : i32
      %swap3A_116 = arith.index_cast %mul3A_115 : i32 to index
      %swap3A_117 = tpu.vector_load %arg6[%swap3A_116] {strides = array<i32>} : memref<16384xi32, #tpu.memory_space<vmem>>, vector<16xi32>,
      tpu.vector_store %arg6[%swap3A_116], %broadcast_in_dim3A_14 {strides = array<i32>} : memref<16384xi32, #tpu.memory_space<vmem>>, vector<16xi32>,
      %mul3A_118 = arith.constant 8 : i32
      %mul3A_119 = arith.muli %scan3A_78, %mul3A_118 : i32
      %add3A_120 = arith.constant 5 : i32
      %add3A_121 = arith.addi %mul3A_119, %add3A_120 : i32
      %mul3A_122 = arith.constant 16 : i32
      %mul3A_123 = arith.muli %add3A_121, %mul3A_122 : i32
      %swap3A_124 = arith.index_cast %mul3A_123 : i32 to index
      %swap3A_125 = tpu.vector_load %arg6[%swap3A_124] {strides = array<i32>} : memref<16384xi32, #tpu.memory_space<vmem>>, vector<16xi32>,
      tpu.vector_store %arg6[%swap3A_124], %broadcast_in_dim3A_14 {strides = array<i32>} : memref<16384xi32, #tpu.memory_space<vmem>>, vector<16xi32>,
      %mul3A_126 = arith.constant 8 : i32
      %mul3A_127 = arith.muli %scan3A_78, %mul3A_126 : i32
      %add3A_128 = arith.constant 6 : i32
      %add3A_129 = arith.addi %mul3A_127, %add3A_128 : i32
      %mul3A_130 = arith.constant 16 : i32
      %mul3A_131 = arith.muli %add3A_129, %mul3A_130 : i32
      %swap3A_132 = arith.index_cast %mul3A_131 : i32 to index
      %swap3A_133 = tpu.vector_load %arg6[%swap3A_132] {strides = array<i32>} : memref<16384xi32, #tpu.memory_space<vmem>>, vector<16xi32>,
      tpu.vector_store %arg6[%swap3A_132], %broadcast_in_dim3A_14 {strides = array<i32>} : memref<16384xi32, #tpu.memory_space<vmem>>, vector<16xi32>,
      %mul3A_134 = arith.constant 8 : i32
      %mul3A_135 = arith.muli %scan3A_78, %mul3A_134 : i32
      %add3A_136 = arith.constant 7 : i32
      %add3A_137 = arith.addi %mul3A_135, %add3A_136 : i32
      %mul3A_138 = arith.constant 16 : i32
      %mul3A_139 = arith.muli %add3A_137, %mul3A_138 : i32
      %swap3A_140 = arith.index_cast %mul3A_139 : i32 to index
      %swap3A_141 = tpu.vector_load %arg6[%swap3A_140] {strides = array<i32>} : memref<16384xi32, #tpu.memory_space<vmem>>, vector<16xi32>,
      tpu.vector_store %arg6[%swap3A_140], %broadcast_in_dim3A_14 {strides = array<i32>} : memref<16384xi32, #tpu.memory_space<vmem>>, vector<16xi32>,
    }
    %scan3A_19 = arith.constant 128 : i32
    %broadcast_in_dim3A_20 = arith.constant 1 : i32
    %broadcast_in_dim3A_21 = vector.broadcast %broadcast_in_dim3A_20 : i32 to vector<16xi32>
    %lt3A_22 = arith.cmpi slt, %select_n3A, %add3A_13 : i32
    %convert_element_type3A = arith.extui %lt3A_22 : i1 to i32
    %cond3A = arith.constant 0 : i32
    %cond3A_23 = arith.cmpi ne, %convert_element_type3A, %cond3A : i32
    scf.if %cond3A_23 {
      %dma_start3A = arith.constant 0 : i32
      %dma_start3A_78 = tpu.memref_slice %arg2[%select_n3A, %dma_start3A] : memref<10000x10000xi32, #tpu.memory_space<hbm>> -> memref<1x10000xi32, #tpu.memory_space<hbm>>
      %dma_start3A_79 = tpu.memref_squeeze %dma_start3A_78 : memref<1x10000xi32, #tpu.memory_space<hbm>> -> memref<10000xi32, #tpu.memory_space<hbm>>
      %dma_start3A_80 = arith.constant 0 : i32
      %dma_start3A_81 = tpu.memref_slice %arg2[%select_n3A, %dma_start3A_80] : memref<10000x10000xi32, #tpu.memory_space<hbm>> -> memref<1x10000xi32, #tpu.memory_space<hbm>>
      %dma_start3A_82 = tpu.memref_squeeze %dma_start3A_81 : memref<1x10000xi32, #tpu.memory_space<hbm>> -> memref<10000xi32, #tpu.memory_space<hbm>>
      tpu.enqueue_dma source(%dma_start3A_82 : memref<10000xi32, #tpu.memory_space<hbm>>) target(%arg4 : memref<10000xi32, #tpu.memory_space<vmem>>) target_semaphore(%arg7 : memref<!tpu.dma_semaphore, #tpu.memory_space<semaphore_mem>>)
    } else {
    }
    %add3A_24 = arith.constant 1 : i32
    %add3A_25 = arith.addi %select_n3A, %add3A_24 : i32
    %lt3A_26 = arith.cmpi slt, %add3A_25, %add3A_13 : i32
    %convert_element_type3A_27 = arith.extui %lt3A_26 : i1 to i32
    %cond3A_28 = arith.constant 0 : i32
    %cond3A_29 = arith.cmpi ne, %convert_element_type3A_27, %cond3A_28 : i32
    scf.if %cond3A_29 {
      %dma_start3A = arith.constant 0 : i32
      %dma_start3A_78 = tpu.memref_slice %arg2[%add3A_25, %dma_start3A] : memref<10000x10000xi32, #tpu.memory_space<hbm>> -> memref<1x10000xi32, #tpu.memory_space<hbm>>
      %dma_start3A_79 = tpu.memref_squeeze %dma_start3A_78 : memref<1x10000xi32, #tpu.memory_space<hbm>> -> memref<10000xi32, #tpu.memory_space<hbm>>
      %dma_start3A_80 = arith.constant 0 : i32
      %dma_start3A_81 = tpu.memref_slice %arg2[%add3A_25, %dma_start3A_80] : memref<10000x10000xi32, #tpu.memory_space<hbm>> -> memref<1x10000xi32, #tpu.memory_space<hbm>>
      %dma_start3A_82 = tpu.memref_squeeze %dma_start3A_81 : memref<1x10000xi32, #tpu.memory_space<hbm>> -> memref<10000xi32, #tpu.memory_space<hbm>>
      tpu.enqueue_dma source(%dma_start3A_82 : memref<10000xi32, #tpu.memory_space<hbm>>) target(%arg5 : memref<10000xi32, #tpu.memory_space<vmem>>) target_semaphore(%arg8 : memref<!tpu.dma_semaphore, #tpu.memory_space<semaphore_mem>>)
    } else {
    }
    %jit3A_30 = arith.constant 2 : i32
    %div3A = arith.divsi %select_n3A_12, %jit3A_30 : i32
    %sign3A = arith.constant 0 : i32
    %sign3A_31 = arith.cmpi sgt, %select_n3A_12, %sign3A : i32
    %sign3A_32 = arith.extui %sign3A_31 : i1 to i32
    %sign3A_33 = arith.constant 0 : i32
    %sign3A_34 = arith.cmpi slt, %select_n3A_12, %sign3A_33 : i32
    %sign3A_35 = arith.extui %sign3A_34 : i1 to i32
    %sign3A_36 = arith.subi %sign3A_32, %sign3A_35 : i32
    %sign3A_37 = arith.constant 0 : i32
    %sign3A_38 = arith.cmpi sgt, %jit3A_30, %sign3A_37 : i32
    %sign3A_39 = arith.extui %sign3A_38 : i1 to i32
    %sign3A_40 = arith.constant 0 : i32
    %sign3A_41 = arith.cmpi slt, %jit3A_30, %sign3A_40 : i32
    %sign3A_42 = arith.extui %sign3A_41 : i1 to i32
    %sign3A_43 = arith.subi %sign3A_39, %sign3A_42 : i32
    %ne3A = arith.cmpi ne, %sign3A_36, %sign3A_43 : i32
    %rem3A = arith.remsi %select_n3A_12, %jit3A_30 : i32
    %ne3A_44 = arith.constant 0 : i32
    %ne3A_45 = arith.cmpi ne, %rem3A, %ne3A_44 : i32
    %and3A = arith.andi %ne3A, %ne3A_45 : i1
    %sub3A_46 = arith.constant 1 : i32
    %sub3A_47 = arith.subi %div3A, %sub3A_46 : i32
    %select_n3A_48 = arith.select %and3A, %sub3A_47, %div3A : i32
    %while3A = arith.constant 0 : i32
    %while3A_49 = arith.constant 0 : i32
    %while3A_50 = arith.subi %select_n3A_48, %while3A_49 : i32
    %while3A_51 = arith.addi %while3A_49, %while3A_50 : i32
    %while3A_52 = arith.constant 1 : i32
    %while3A_53 = arith.divsi %while3A_50, %while3A_52 : i32
    %while3A_54 = arith.muli %while3A_53, %while3A_52 : i32
    %while3A_55 = arith.addi %while3A_49, %while3A_54 : i32
    %while3A_56 = arith.constant 1 : i32
    scf.for %while3A_78 = %while3A_49 to %while3A_55 step %while3A_56  : i32 {
      %mul3A_79 = arith.constant 2 : i32
      %mul3A_80 = arith.muli %mul3A_79, %while3A_78 : i32
      %add3A_81 = arith.addi %select_n3A, %mul3A_80 : i32
      %dma_wait3A = arith.constant 0 : i32
      %dma_wait3A_82 = tpu.memref_slice %arg2[%add3A_81, %dma_wait3A] : memref<10000x10000xi32, #tpu.memory_space<hbm>> -> memref<1x10000xi32, #tpu.memory_space<hbm>>
      %dma_wait3A_83 = tpu.memref_squeeze %dma_wait3A_82 : memref<1x10000xi32, #tpu.memory_space<hbm>> -> memref<10000xi32, #tpu.memory_space<hbm>>
      %dma_wait3A_84 = arith.constant 0 : i32
      %dma_wait3A_85 = tpu.memref_slice %arg2[%add3A_81, %dma_wait3A_84] : memref<10000x10000xi32, #tpu.memory_space<hbm>> -> memref<1x10000xi32, #tpu.memory_space<hbm>>
      %dma_wait3A_86 = tpu.memref_squeeze %dma_wait3A_85 : memref<1x10000xi32, #tpu.memory_space<hbm>> -> memref<10000xi32, #tpu.memory_space<hbm>>
      tpu.wait_dma2 semaphore(%arg7 : memref<!tpu.dma_semaphore, #tpu.memory_space<semaphore_mem>>) src(%dma_wait3A_86 : memref<10000xi32, #tpu.memory_space<hbm>>) dst(%arg4 : memref<10000xi32, #tpu.memory_space<vmem>>)
      %parallel_loop3A = arith.constant 0 : i32
      %parallel_loop3A_87 = arith.constant 625 : i32
      %parallel_loop3A_88 = arith.constant 1 : i32
      scf.for %parallel_loop3A_112 = %parallel_loop3A to %parallel_loop3A_87 step %parallel_loop3A_88  : i32 {
        %parallel_loop3A_113 = arith.constant 16 : i32
        %parallel_loop3A_114 = arith.muli %parallel_loop3A_112, %parallel_loop3A_113 : i32
        %parallel_loop3A_115 = arith.index_cast %parallel_loop3A_114 : i32 to index
        %parallel_loop3A_116 = tpu.vector_load %arg4[%parallel_loop3A_115] {strides = array<i32>} : memref<10000xi32, #tpu.memory_space<vmem>>, vector<16xi32>,
        %parallel_loop3A_117 = arith.constant 16 : i32
        %parallel_loop3A_118 = vector.broadcast %parallel_loop3A_117 : i32 to vector<16xi32>
        %parallel_loop3A_119 = arith.shrsi %parallel_loop3A_116, %parallel_loop3A_118 : vector<16xi32>
        tpu.vector_store_idx %arg6[%parallel_loop3A_119], %broadcast_in_dim3A_21 {add = true} : memref<16384xi32, #tpu.memory_space<vmem>>[vector<16xi32>], vector<16xi32>,
      } {sc.loop_unroll_factor = 8 : i64, sc.parallel_access}
      %add3A_89 = arith.constant 2 : i32
      %add3A_90 = arith.addi %add3A_81, %add3A_89 : i32
      %lt3A_91 = arith.cmpi slt, %add3A_90, %add3A_13 : i32
      %convert_element_type3A_92 = arith.extui %lt3A_91 : i1 to i32
      %cond3A_93 = arith.constant 0 : i32
      %cond3A_94 = arith.cmpi ne, %convert_element_type3A_92, %cond3A_93 : i32
      scf.if %cond3A_94 {
        %dma_start3A = arith.constant 0 : i32
        %dma_start3A_112 = tpu.memref_slice %arg2[%add3A_90, %dma_start3A] : memref<10000x10000xi32, #tpu.memory_space<hbm>> -> memref<1x10000xi32, #tpu.memory_space<hbm>>
        %dma_start3A_113 = tpu.memref_squeeze %dma_start3A_112 : memref<1x10000xi32, #tpu.memory_space<hbm>> -> memref<10000xi32, #tpu.memory_space<hbm>>
        %dma_start3A_114 = arith.constant 0 : i32
        %dma_start3A_115 = tpu.memref_slice %arg2[%add3A_90, %dma_start3A_114] : memref<10000x10000xi32, #tpu.memory_space<hbm>> -> memref<1x10000xi32, #tpu.memory_space<hbm>>
        %dma_start3A_116 = tpu.memref_squeeze %dma_start3A_115 : memref<1x10000xi32, #tpu.memory_space<hbm>> -> memref<10000xi32, #tpu.memory_space<hbm>>
        tpu.enqueue_dma source(%dma_start3A_116 : memref<10000xi32, #tpu.memory_space<hbm>>) target(%arg4 : memref<10000xi32, #tpu.memory_space<vmem>>) target_semaphore(%arg7 : memref<!tpu.dma_semaphore, #tpu.memory_space<semaphore_mem>>)
      } else {
      }
      %add3A_95 = arith.constant 1 : i32
      %add3A_96 = arith.addi %add3A_81, %add3A_95 : i32
      %dma_wait3A_97 = arith.constant 0 : i32
      %dma_wait3A_98 = tpu.memref_slice %arg2[%add3A_96, %dma_wait3A_97] : memref<10000x10000xi32, #tpu.memory_space<hbm>> -> memref<1x10000xi32, #tpu.memory_space<hbm>>
      %dma_wait3A_99 = tpu.memref_squeeze %dma_wait3A_98 : memref<1x10000xi32, #tpu.memory_space<hbm>> -> memref<10000xi32, #tpu.memory_space<hbm>>
      %dma_wait3A_100 = arith.constant 0 : i32
      %dma_wait3A_101 = tpu.memref_slice %arg2[%add3A_96, %dma_wait3A_100] : memref<10000x10000xi32, #tpu.memory_space<hbm>> -> memref<1x10000xi32, #tpu.memory_space<hbm>>
      %dma_wait3A_102 = tpu.memref_squeeze %dma_wait3A_101 : memref<1x10000xi32, #tpu.memory_space<hbm>> -> memref<10000xi32, #tpu.memory_space<hbm>>
      tpu.wait_dma2 semaphore(%arg8 : memref<!tpu.dma_semaphore, #tpu.memory_space<semaphore_mem>>) src(%dma_wait3A_102 : memref<10000xi32, #tpu.memory_space<hbm>>) dst(%arg5 : memref<10000xi32, #tpu.memory_space<vmem>>)
      %parallel_loop3A_103 = arith.constant 0 : i32
      %parallel_loop3A_104 = arith.constant 625 : i32
      %parallel_loop3A_105 = arith.constant 1 : i32
      scf.for %parallel_loop3A_112 = %parallel_loop3A_103 to %parallel_loop3A_104 step %parallel_loop3A_105  : i32 {
        %parallel_loop3A_113 = arith.constant 16 : i32
        %parallel_loop3A_114 = arith.muli %parallel_loop3A_112, %parallel_loop3A_113 : i32
        %parallel_loop3A_115 = arith.index_cast %parallel_loop3A_114 : i32 to index
        %parallel_loop3A_116 = tpu.vector_load %arg5[%parallel_loop3A_115] {strides = array<i32>} : memref<10000xi32, #tpu.memory_space<vmem>>, vector<16xi32>,
        %parallel_loop3A_117 = arith.constant 16 : i32
        %parallel_loop3A_118 = vector.broadcast %parallel_loop3A_117 : i32 to vector<16xi32>
        %parallel_loop3A_119 = arith.shrsi %parallel_loop3A_116, %parallel_loop3A_118 : vector<16xi32>
        tpu.vector_store_idx %arg6[%parallel_loop3A_119], %broadcast_in_dim3A_21 {add = true} : memref<16384xi32, #tpu.memory_space<vmem>>[vector<16xi32>], vector<16xi32>,
      } {sc.loop_unroll_factor = 8 : i64, sc.parallel_access}
      %add3A_106 = arith.constant 3 : i32
      %add3A_107 = arith.addi %add3A_81, %add3A_106 : i32
      %lt3A_108 = arith.cmpi slt, %add3A_107, %add3A_13 : i32
      %convert_element_type3A_109 = arith.extui %lt3A_108 : i1 to i32
      %cond3A_110 = arith.constant 0 : i32
      %cond3A_111 = arith.cmpi ne, %convert_element_type3A_109, %cond3A_110 : i32
      scf.if %cond3A_111 {
        %dma_start3A = arith.constant 0 : i32
        %dma_start3A_112 = tpu.memref_slice %arg2[%add3A_107, %dma_start3A] : memref<10000x10000xi32, #tpu.memory_space<hbm>> -> memref<1x10000xi32, #tpu.memory_space<hbm>>
        %dma_start3A_113 = tpu.memref_squeeze %dma_start3A_112 : memref<1x10000xi32, #tpu.memory_space<hbm>> -> memref<10000xi32, #tpu.memory_space<hbm>>
        %dma_start3A_114 = arith.constant 0 : i32
        %dma_start3A_115 = tpu.memref_slice %arg2[%add3A_107, %dma_start3A_114] : memref<10000x10000xi32, #tpu.memory_space<hbm>> -> memref<1x10000xi32, #tpu.memory_space<hbm>>
        %dma_start3A_116 = tpu.memref_squeeze %dma_start3A_115 : memref<1x10000xi32, #tpu.memory_space<hbm>> -> memref<10000xi32, #tpu.memory_space<hbm>>
        tpu.enqueue_dma source(%dma_start3A_116 : memref<10000xi32, #tpu.memory_space<hbm>>) target(%arg5 : memref<10000xi32, #tpu.memory_space<vmem>>) target_semaphore(%arg8 : memref<!tpu.dma_semaphore, #tpu.memory_space<semaphore_mem>>)
      } else {
      }
    }
    %while3A_57 = arith.constant 1 : i32
    scf.for %while3A_78 = %while3A_55 to %while3A_51 step %while3A_57  : i32 {
      %mul3A_79 = arith.constant 2 : i32
      %mul3A_80 = arith.muli %mul3A_79, %while3A_78 : i32
      %add3A_81 = arith.addi %select_n3A, %mul3A_80 : i32
      %dma_wait3A = arith.constant 0 : i32
      %dma_wait3A_82 = tpu.memref_slice %arg2[%add3A_81, %dma_wait3A] : memref<10000x10000xi32, #tpu.memory_space<hbm>> -> memref<1x10000xi32, #tpu.memory_space<hbm>>
      %dma_wait3A_83 = tpu.memref_squeeze %dma_wait3A_82 : memref<1x10000xi32, #tpu.memory_space<hbm>> -> memref<10000xi32, #tpu.memory_space<hbm>>
      %dma_wait3A_84 = arith.constant 0 : i32
      %dma_wait3A_85 = tpu.memref_slice %arg2[%add3A_81, %dma_wait3A_84] : memref<10000x10000xi32, #tpu.memory_space<hbm>> -> memref<1x10000xi32, #tpu.memory_space<hbm>>
      %dma_wait3A_86 = tpu.memref_squeeze %dma_wait3A_85 : memref<1x10000xi32, #tpu.memory_space<hbm>> -> memref<10000xi32, #tpu.memory_space<hbm>>
      tpu.wait_dma2 semaphore(%arg7 : memref<!tpu.dma_semaphore, #tpu.memory_space<semaphore_mem>>) src(%dma_wait3A_86 : memref<10000xi32, #tpu.memory_space<hbm>>) dst(%arg4 : memref<10000xi32, #tpu.memory_space<vmem>>)
      %parallel_loop3A = arith.constant 0 : i32
      %parallel_loop3A_87 = arith.constant 625 : i32
      %parallel_loop3A_88 = arith.constant 1 : i32
      scf.for %parallel_loop3A_112 = %parallel_loop3A to %parallel_loop3A_87 step %parallel_loop3A_88  : i32 {
        %parallel_loop3A_113 = arith.constant 16 : i32
        %parallel_loop3A_114 = arith.muli %parallel_loop3A_112, %parallel_loop3A_113 : i32
        %parallel_loop3A_115 = arith.index_cast %parallel_loop3A_114 : i32 to index
        %parallel_loop3A_116 = tpu.vector_load %arg4[%parallel_loop3A_115] {strides = array<i32>} : memref<10000xi32, #tpu.memory_space<vmem>>, vector<16xi32>,
        %parallel_loop3A_117 = arith.constant 16 : i32
        %parallel_loop3A_118 = vector.broadcast %parallel_loop3A_117 : i32 to vector<16xi32>
        %parallel_loop3A_119 = arith.shrsi %parallel_loop3A_116, %parallel_loop3A_118 : vector<16xi32>
        tpu.vector_store_idx %arg6[%parallel_loop3A_119], %broadcast_in_dim3A_21 {add = true} : memref<16384xi32, #tpu.memory_space<vmem>>[vector<16xi32>], vector<16xi32>,
      } {sc.loop_unroll_factor = 8 : i64, sc.parallel_access}
      %add3A_89 = arith.constant 2 : i32
      %add3A_90 = arith.addi %add3A_81, %add3A_89 : i32
      %lt3A_91 = arith.cmpi slt, %add3A_90, %add3A_13 : i32
      %convert_element_type3A_92 = arith.extui %lt3A_91 : i1 to i32
      %cond3A_93 = arith.constant 0 : i32
      %cond3A_94 = arith.cmpi ne, %convert_element_type3A_92, %cond3A_93 : i32
      scf.if %cond3A_94 {
        %dma_start3A = arith.constant 0 : i32
        %dma_start3A_112 = tpu.memref_slice %arg2[%add3A_90, %dma_start3A] : memref<10000x10000xi32, #tpu.memory_space<hbm>> -> memref<1x10000xi32, #tpu.memory_space<hbm>>
        %dma_start3A_113 = tpu.memref_squeeze %dma_start3A_112 : memref<1x10000xi32, #tpu.memory_space<hbm>> -> memref<10000xi32, #tpu.memory_space<hbm>>
        %dma_start3A_114 = arith.constant 0 : i32
        %dma_start3A_115 = tpu.memref_slice %arg2[%add3A_90, %dma_start3A_114] : memref<10000x10000xi32, #tpu.memory_space<hbm>> -> memref<1x10000xi32, #tpu.memory_space<hbm>>
        %dma_start3A_116 = tpu.memref_squeeze %dma_start3A_115 : memref<1x10000xi32, #tpu.memory_space<hbm>> -> memref<10000xi32, #tpu.memory_space<hbm>>
        tpu.enqueue_dma source(%dma_start3A_116 : memref<10000xi32, #tpu.memory_space<hbm>>) target(%arg4 : memref<10000xi32, #tpu.memory_space<vmem>>) target_semaphore(%arg7 : memref<!tpu.dma_semaphore, #tpu.memory_space<semaphore_mem>>)
      } else {
      }
      %add3A_95 = arith.constant 1 : i32
      %add3A_96 = arith.addi %add3A_81, %add3A_95 : i32
      %dma_wait3A_97 = arith.constant 0 : i32
      %dma_wait3A_98 = tpu.memref_slice %arg2[%add3A_96, %dma_wait3A_97] : memref<10000x10000xi32, #tpu.memory_space<hbm>> -> memref<1x10000xi32, #tpu.memory_space<hbm>>
      %dma_wait3A_99 = tpu.memref_squeeze %dma_wait3A_98 : memref<1x10000xi32, #tpu.memory_space<hbm>> -> memref<10000xi32, #tpu.memory_space<hbm>>
      %dma_wait3A_100 = arith.constant 0 : i32
      %dma_wait3A_101 = tpu.memref_slice %arg2[%add3A_96, %dma_wait3A_100] : memref<10000x10000xi32, #tpu.memory_space<hbm>> -> memref<1x10000xi32, #tpu.memory_space<hbm>>
      %dma_wait3A_102 = tpu.memref_squeeze %dma_wait3A_101 : memref<1x10000xi32, #tpu.memory_space<hbm>> -> memref<10000xi32, #tpu.memory_space<hbm>>
      tpu.wait_dma2 semaphore(%arg8 : memref<!tpu.dma_semaphore, #tpu.memory_space<semaphore_mem>>) src(%dma_wait3A_102 : memref<10000xi32, #tpu.memory_space<hbm>>) dst(%arg5 : memref<10000xi32, #tpu.memory_space<vmem>>)
      %parallel_loop3A_103 = arith.constant 0 : i32
      %parallel_loop3A_104 = arith.constant 625 : i32
      %parallel_loop3A_105 = arith.constant 1 : i32
      scf.for %parallel_loop3A_112 = %parallel_loop3A_103 to %parallel_loop3A_104 step %parallel_loop3A_105  : i32 {
        %parallel_loop3A_113 = arith.constant 16 : i32
        %parallel_loop3A_114 = arith.muli %parallel_loop3A_112, %parallel_loop3A_113 : i32
        %parallel_loop3A_115 = arith.index_cast %parallel_loop3A_114 : i32 to index
        %parallel_loop3A_116 = tpu.vector_load %arg5[%parallel_loop3A_115] {strides = array<i32>} : memref<10000xi32, #tpu.memory_space<vmem>>, vector<16xi32>,
        %parallel_loop3A_117 = arith.constant 16 : i32
        %parallel_loop3A_118 = vector.broadcast %parallel_loop3A_117 : i32 to vector<16xi32>
        %parallel_loop3A_119 = arith.shrsi %parallel_loop3A_116, %parallel_loop3A_118 : vector<16xi32>
        tpu.vector_store_idx %arg6[%parallel_loop3A_119], %broadcast_in_dim3A_21 {add = true} : memref<16384xi32, #tpu.memory_space<vmem>>[vector<16xi32>], vector<16xi32>,
      } {sc.loop_unroll_factor = 8 : i64, sc.parallel_access}
      %add3A_106 = arith.constant 3 : i32
      %add3A_107 = arith.addi %add3A_81, %add3A_106 : i32
      %lt3A_108 = arith.cmpi slt, %add3A_107, %add3A_13 : i32
      %convert_element_type3A_109 = arith.extui %lt3A_108 : i1 to i32
      %cond3A_110 = arith.constant 0 : i32
      %cond3A_111 = arith.cmpi ne, %convert_element_type3A_109, %cond3A_110 : i32
      scf.if %cond3A_111 {
        %dma_start3A = arith.constant 0 : i32
        %dma_start3A_112 = tpu.memref_slice %arg2[%add3A_107, %dma_start3A] : memref<10000x10000xi32, #tpu.memory_space<hbm>> -> memref<1x10000xi32, #tpu.memory_space<hbm>>
        %dma_start3A_113 = tpu.memref_squeeze %dma_start3A_112 : memref<1x10000xi32, #tpu.memory_space<hbm>> -> memref<10000xi32, #tpu.memory_space<hbm>>
        %dma_start3A_114 = arith.constant 0 : i32
        %dma_start3A_115 = tpu.memref_slice %arg2[%add3A_107, %dma_start3A_114] : memref<10000x10000xi32, #tpu.memory_space<hbm>> -> memref<1x10000xi32, #tpu.memory_space<hbm>>
        %dma_start3A_116 = tpu.memref_squeeze %dma_start3A_115 : memref<1x10000xi32, #tpu.memory_space<hbm>> -> memref<10000xi32, #tpu.memory_space<hbm>>
        tpu.enqueue_dma source(%dma_start3A_116 : memref<10000xi32, #tpu.memory_space<hbm>>) target(%arg5 : memref<10000xi32, #tpu.memory_space<vmem>>) target_semaphore(%arg8 : memref<!tpu.dma_semaphore, #tpu.memory_space<semaphore_mem>>)
      } else {
      }
    }
    %jit3A_58 = arith.constant 2 : i32
    %eq3A = arith.constant 0 : i32
    %eq3A_59 = arith.cmpi eq, %jit3A_58, %eq3A : i32
    %jit3A_60 = arith.constant 1 : i32
    %select_n3A_61 = arith.select %eq3A_59, %jit3A_60, %jit3A_58 : i32
    %rem3A_62 = arith.remsi %select_n3A_12, %select_n3A_61 : i32
    %ne3A_63 = arith.constant 0 : i32
    %ne3A_64 = arith.cmpi ne, %rem3A_62, %ne3A_63 : i32
    %lt3A_65 = arith.constant 0 : i32
    %lt3A_66 = arith.cmpi slt, %rem3A_62, %lt3A_65 : i32
    %lt3A_67 = arith.constant 0 : i32
    %lt3A_68 = arith.cmpi slt, %select_n3A_61, %lt3A_67 : i32
    %ne3A_69 = arith.xori %lt3A_66, %lt3A_68 : i1
    %and3A_70 = arith.andi %ne3A_69, %ne3A_64 : i1
    %add3A_71 = arith.addi %rem3A_62, %select_n3A_61 : i32
    %select_n3A_72 = arith.select %and3A_70, %add3A_71, %rem3A_62 : i32
    %eq3A_73 = arith.constant 1 : i32
    %eq3A_74 = arith.cmpi eq, %select_n3A_72, %eq3A_73 : i32
    %convert_element_type3A_75 = arith.extui %eq3A_74 : i1 to i32
    %cond3A_76 = arith.constant 0 : i32
    %cond3A_77 = arith.cmpi ne, %convert_element_type3A_75, %cond3A_76 : i32
    scf.if %cond3A_77 {
      %sub3A_78 = arith.constant 1 : i32
      %sub3A_79 = arith.subi %add3A_13, %sub3A_78 : i32
      %dma_wait3A = arith.constant 0 : i32
      %dma_wait3A_80 = tpu.memref_slice %arg2[%sub3A_79, %dma_wait3A] : memref<10000x10000xi32, #tpu.memory_space<hbm>> -> memref<1x10000xi32, #tpu.memory_space<hbm>>
      %dma_wait3A_81 = tpu.memref_squeeze %dma_wait3A_80 : memref<1x10000xi32, #tpu.memory_space<hbm>> -> memref<10000xi32, #tpu.memory_space<hbm>>
      %dma_wait3A_82 = arith.constant 0 : i32
      %dma_wait3A_83 = tpu.memref_slice %arg2[%sub3A_79, %dma_wait3A_82] : memref<10000x10000xi32, #tpu.memory_space<hbm>> -> memref<1x10000xi32, #tpu.memory_space<hbm>>
      %dma_wait3A_84 = tpu.memref_squeeze %dma_wait3A_83 : memref<1x10000xi32, #tpu.memory_space<hbm>> -> memref<10000xi32, #tpu.memory_space<hbm>>
      tpu.wait_dma2 semaphore(%arg7 : memref<!tpu.dma_semaphore, #tpu.memory_space<semaphore_mem>>) src(%dma_wait3A_84 : memref<10000xi32, #tpu.memory_space<hbm>>) dst(%arg4 : memref<10000xi32, #tpu.memory_space<vmem>>)
      %parallel_loop3A = arith.constant 0 : i32
      %parallel_loop3A_85 = arith.constant 625 : i32
      %parallel_loop3A_86 = arith.constant 1 : i32
      scf.for %parallel_loop3A_87 = %parallel_loop3A to %parallel_loop3A_85 step %parallel_loop3A_86  : i32 {
        %parallel_loop3A_88 = arith.constant 16 : i32
        %parallel_loop3A_89 = arith.muli %parallel_loop3A_87, %parallel_loop3A_88 : i32
        %parallel_loop3A_90 = arith.index_cast %parallel_loop3A_89 : i32 to index
        %parallel_loop3A_91 = tpu.vector_load %arg4[%parallel_loop3A_90] {strides = array<i32>} : memref<10000xi32, #tpu.memory_space<vmem>>, vector<16xi32>,
        %parallel_loop3A_92 = arith.constant 16 : i32
        %parallel_loop3A_93 = vector.broadcast %parallel_loop3A_92 : i32 to vector<16xi32>
        %parallel_loop3A_94 = arith.shrsi %parallel_loop3A_91, %parallel_loop3A_93 : vector<16xi32>
        tpu.vector_store_idx %arg6[%parallel_loop3A_94], %broadcast_in_dim3A_21 {add = true} : memref<16384xi32, #tpu.memory_space<vmem>>[vector<16xi32>], vector<16xi32>,
      } {sc.loop_unroll_factor = 8 : i64, sc.parallel_access}
    } else {
    }
    "tpu.region"() ({
      %run_scoped3A = tpu.sem_alloc : memref<!tpu.dma_semaphore, #tpu.memory_space<semaphore_mem>>
      %dma_start3A = arith.constant 0 : i32
      %dma_start3A_78 = tpu.memref_slice %arg3[%add3A, %dma_start3A] : memref<32x16384xi32, #tpu.memory_space<hbm>> -> memref<1x16384xi32, #tpu.memory_space<hbm>>
      %dma_start3A_79 = tpu.memref_squeeze %dma_start3A_78 : memref<1x16384xi32, #tpu.memory_space<hbm>> -> memref<16384xi32, #tpu.memory_space<hbm>>
      %dma_start3A_80 = arith.constant 0 : i32
      %dma_start3A_81 = tpu.memref_slice %arg3[%add3A, %dma_start3A_80] : memref<32x16384xi32, #tpu.memory_space<hbm>> -> memref<1x16384xi32, #tpu.memory_space<hbm>>
      %dma_start3A_82 = tpu.memref_squeeze %dma_start3A_81 : memref<1x16384xi32, #tpu.memory_space<hbm>> -> memref<16384xi32, #tpu.memory_space<hbm>>
      tpu.enqueue_dma source(%arg6 : memref<16384xi32, #tpu.memory_space<vmem>>) target(%dma_start3A_82 : memref<16384xi32, #tpu.memory_space<hbm>>) target_semaphore(%run_scoped3A : memref<!tpu.dma_semaphore, #tpu.memory_space<semaphore_mem>>)
      %dma_wait3A = arith.constant 0 : i32
      %dma_wait3A_83 = tpu.memref_slice %arg3[%add3A, %dma_wait3A] : memref<32x16384xi32, #tpu.memory_space<hbm>> -> memref<1x16384xi32, #tpu.memory_space<hbm>>
      %dma_wait3A_84 = tpu.memref_squeeze %dma_wait3A_83 : memref<1x16384xi32, #tpu.memory_space<hbm>> -> memref<16384xi32, #tpu.memory_space<hbm>>
      %dma_wait3A_85 = arith.constant 0 : i32
      %dma_wait3A_86 = tpu.memref_slice %arg3[%add3A, %dma_wait3A_85] : memref<32x16384xi32, #tpu.memory_space<hbm>> -> memref<1x16384xi32, #tpu.memory_space<hbm>>
      %dma_wait3A_87 = tpu.memref_squeeze %dma_wait3A_86 : memref<1x16384xi32, #tpu.memory_space<hbm>> -> memref<16384xi32, #tpu.memory_space<hbm>>
      tpu.wait_dma2 semaphore(%run_scoped3A : memref<!tpu.dma_semaphore, #tpu.memory_space<semaphore_mem>>) src(%arg6 : memref<16384xi32, #tpu.memory_space<vmem>>) dst(%dma_wait3A_87 : memref<16384xi32, #tpu.memory_space<hbm>>)
      tpu.yield
    }) : () -> ()
    return
  }
}

module attributes {stable_mosaic.version = 14 : i64} {
  func.func @_select_body(%arg0: memref<2xi32, #tpu.memory_space<smem>>, %arg1: memref<32x32768xi32, #tpu.memory_space<vmem>>, %arg2: memref<32x32768xi32, #tpu.memory_space<vmem>>, %arg3: memref<8x128xi32, #tpu.memory_space<vmem>>) attributes {dimension_semantics = [], scalar_prefetch = 0 : i64, scratch_operands = 0 : i64, tpu.core_type = #tpu.core_type<tc>} {
    %get3A = arith.constant 0 : index
    %get3A_0 = memref.load %arg0[%get3A] : memref<2xi32, #tpu.memory_space<smem>>
    %get3A_1 = arith.constant 1 : index
    %get3A_2 = memref.load %arg0[%get3A_1] : memref<2xi32, #tpu.memory_space<smem>>
    %sub3A = arith.constant 160000 : i32
    %sub3A_3 = arith.subi %sub3A, %get3A_2 : i32
    %get3A_4 = arith.constant 0 : index
    %get3A_5 = arith.constant 0 : index
    %get3A_6 = vector.load %arg1[%get3A_4, %get3A_5] : memref<32x32768xi32, #tpu.memory_space<vmem>>, vector<32x32768xi32>
    %get3A_7 = arith.constant 0 : index
    %get3A_8 = arith.constant 0 : index
    %get3A_9 = vector.load %arg2[%get3A_7, %get3A_8] : memref<32x32768xi32, #tpu.memory_space<vmem>>, vector<32x32768xi32>
    %shift_left3A = arith.constant 16 : i32
    %shift_left3A_10 = arith.shli %get3A_0, %shift_left3A : i32
    %add3A = arith.constant 65536 : i32
    %add3A_11 = arith.addi %shift_left3A_10, %add3A : i32
    %scan3A = arith.constant 0 : i32
    %scan3A_12 = arith.constant 16 : i32
    %scan3A_13 = arith.addi %scan3A, %scan3A_12 : i32
    %scan3A_14 = arith.constant 1 : i32
    %scan3A_15:2 = scf.for %scan3A_50 = %scan3A to %scan3A_13 step %scan3A_14 iter_args(%scan3A_51 = %shift_left3A_10, %scan3A_52 = %add3A_11) -> (i32, i32)  : i32 {
      %add3A_53 = arith.addi %scan3A_51, %scan3A_52 : i32
      %jit3A_54 = arith.constant 2 : i32
      %div3A = arith.divsi %add3A_53, %jit3A_54 : i32
      %sign3A = arith.constant 0 : i32
      %sign3A_55 = arith.cmpi sgt, %add3A_53, %sign3A : i32
      %sign3A_56 = arith.extui %sign3A_55 : i1 to i32
      %sign3A_57 = arith.constant 0 : i32
      %sign3A_58 = arith.cmpi slt, %add3A_53, %sign3A_57 : i32
      %sign3A_59 = arith.extui %sign3A_58 : i1 to i32
      %sign3A_60 = arith.subi %sign3A_56, %sign3A_59 : i32
      %sign3A_61 = arith.constant 0 : i32
      %sign3A_62 = arith.cmpi sgt, %jit3A_54, %sign3A_61 : i32
      %sign3A_63 = arith.extui %sign3A_62 : i1 to i32
      %sign3A_64 = arith.constant 0 : i32
      %sign3A_65 = arith.cmpi slt, %jit3A_54, %sign3A_64 : i32
      %sign3A_66 = arith.extui %sign3A_65 : i1 to i32
      %sign3A_67 = arith.subi %sign3A_63, %sign3A_66 : i32
      %ne3A = arith.cmpi ne, %sign3A_60, %sign3A_67 : i32
      %rem3A = arith.remsi %add3A_53, %jit3A_54 : i32
      %ne3A_68 = arith.constant 0 : i32
      %ne3A_69 = arith.cmpi ne, %rem3A, %ne3A_68 : i32
      %and3A = arith.andi %ne3A, %ne3A_69 : i1
      %sub3A_70 = arith.constant 1 : i32
      %sub3A_71 = arith.subi %div3A, %sub3A_70 : i32
      %select_n3A_72 = arith.select %and3A, %sub3A_71, %div3A : i32
      %ge3A_73 = vector.broadcast %select_n3A_72 : i32 to vector<32x32768xi32>
      %ge3A_74 = arith.cmpi sge, %get3A_6, %ge3A_73 : vector<32x32768xi32>
      %convert_element_type3A_75 = arith.extui %ge3A_74 : vector<32x32768xi1> to vector<32x32768xi32>
      %reduce_sum3A_76 = vector.shape_cast %convert_element_type3A_75 : vector<32x32768xi32> to vector<1x32x32768xi32>
      %reduce_sum3A_77 = arith.constant dense<0> : vector<1xi32>
      %reduce_sum3A_78 = vector.multi_reduction <add>, %reduce_sum3A_76, %reduce_sum3A_77 [1, 2] : vector<1x32x32768xi32> to vector<1xi32>
      %reduce_sum3A_79 = vector.shape_cast %reduce_sum3A_78 : vector<1xi32> to vector<1x1x1xi32>
      %reduce_sum3A_80 = vector.extract %reduce_sum3A_79[0, 0, 0] : i32 from vector<1x1x1xi32>
      %ge3A_81 = arith.cmpi sge, %reduce_sum3A_80, %sub3A_3 : i32
      %select_n3A_82 = arith.select %ge3A_81, %select_n3A_72, %scan3A_51 : i32
      %select_n3A_83 = arith.select %ge3A_81, %scan3A_52, %select_n3A_72 : i32
      scf.yield %select_n3A_82, %select_n3A_83 : i32, i32
    }
    %add3A_16 = arith.constant 1 : i32
    %add3A_17 = arith.addi %scan3A_15#0, %add3A_16 : i32
    %ge3A = vector.broadcast %add3A_17 : i32 to vector<32x32768xi32>
    %ge3A_18 = arith.cmpi sge, %get3A_6, %ge3A : vector<32x32768xi32>
    %convert_element_type3A = arith.extui %ge3A_18 : vector<32x32768xi1> to vector<32x32768xi32>
    %reduce_sum3A = vector.shape_cast %convert_element_type3A : vector<32x32768xi32> to vector<1x32x32768xi32>
    %reduce_sum3A_19 = arith.constant dense<0> : vector<1xi32>
    %reduce_sum3A_20 = vector.multi_reduction <add>, %reduce_sum3A, %reduce_sum3A_19 [1, 2] : vector<1x32x32768xi32> to vector<1xi32>
    %reduce_sum3A_21 = vector.shape_cast %reduce_sum3A_20 : vector<1xi32> to vector<1x1x1xi32>
    %reduce_sum3A_22 = vector.extract %reduce_sum3A_21[0, 0, 0] : i32 from vector<1x1x1xi32>
    %sub3A_23 = arith.subi %sub3A_3, %reduce_sum3A_22 : i32
    %eq3A = vector.broadcast %scan3A_15#0 : i32 to vector<32x32768xi32>
    %eq3A_24 = arith.cmpi eq, %get3A_6, %eq3A : vector<32x32768xi32>
    %scan3A_25 = arith.constant -1 : i32
    %scan3A_26 = arith.constant 99999999 : i32
    %scan3A_27 = arith.constant 0 : i32
    %scan3A_28 = arith.constant 27 : i32
    %scan3A_29 = arith.addi %scan3A_27, %scan3A_28 : i32
    %scan3A_30 = arith.constant 1 : i32
    %scan3A_31:2 = scf.for %scan3A_50 = %scan3A_27 to %scan3A_29 step %scan3A_30 iter_args(%scan3A_51 = %scan3A_25, %scan3A_52 = %scan3A_26) -> (i32, i32)  : i32 {
      %add3A_53 = arith.addi %scan3A_51, %scan3A_52 : i32
      %jit3A_54 = arith.constant 2 : i32
      %div3A = arith.divsi %add3A_53, %jit3A_54 : i32
      %sign3A = arith.constant 0 : i32
      %sign3A_55 = arith.cmpi sgt, %add3A_53, %sign3A : i32
      %sign3A_56 = arith.extui %sign3A_55 : i1 to i32
      %sign3A_57 = arith.constant 0 : i32
      %sign3A_58 = arith.cmpi slt, %add3A_53, %sign3A_57 : i32
      %sign3A_59 = arith.extui %sign3A_58 : i1 to i32
      %sign3A_60 = arith.subi %sign3A_56, %sign3A_59 : i32
      %sign3A_61 = arith.constant 0 : i32
      %sign3A_62 = arith.cmpi sgt, %jit3A_54, %sign3A_61 : i32
      %sign3A_63 = arith.extui %sign3A_62 : i1 to i32
      %sign3A_64 = arith.constant 0 : i32
      %sign3A_65 = arith.cmpi slt, %jit3A_54, %sign3A_64 : i32
      %sign3A_66 = arith.extui %sign3A_65 : i1 to i32
      %sign3A_67 = arith.subi %sign3A_63, %sign3A_66 : i32
      %ne3A = arith.cmpi ne, %sign3A_60, %sign3A_67 : i32
      %rem3A = arith.remsi %add3A_53, %jit3A_54 : i32
      %ne3A_68 = arith.constant 0 : i32
      %ne3A_69 = arith.cmpi ne, %rem3A, %ne3A_68 : i32
      %and3A = arith.andi %ne3A, %ne3A_69 : i1
      %sub3A_70 = arith.constant 1 : i32
      %sub3A_71 = arith.subi %div3A, %sub3A_70 : i32
      %select_n3A_72 = arith.select %and3A, %sub3A_71, %div3A : i32
      %le3A = vector.broadcast %select_n3A_72 : i32 to vector<32x32768xi32>
      %le3A_73 = arith.cmpi sle, %get3A_9, %le3A : vector<32x32768xi32>
      %and3A_74 = arith.andi %eq3A_24, %le3A_73 : vector<32x32768xi1>
      %convert_element_type3A_75 = arith.extui %and3A_74 : vector<32x32768xi1> to vector<32x32768xi32>
      %reduce_sum3A_76 = vector.shape_cast %convert_element_type3A_75 : vector<32x32768xi32> to vector<1x32x32768xi32>
      %reduce_sum3A_77 = arith.constant dense<0> : vector<1xi32>
      %reduce_sum3A_78 = vector.multi_reduction <add>, %reduce_sum3A_76, %reduce_sum3A_77 [1, 2] : vector<1x32x32768xi32> to vector<1xi32>
      %reduce_sum3A_79 = vector.shape_cast %reduce_sum3A_78 : vector<1xi32> to vector<1x1x1xi32>
      %reduce_sum3A_80 = vector.extract %reduce_sum3A_79[0, 0, 0] : i32 from vector<1x1x1xi32>
      %ge3A_81 = arith.cmpi sge, %reduce_sum3A_80, %sub3A_23 : i32
      %select_n3A_82 = arith.select %ge3A_81, %scan3A_51, %select_n3A_72 : i32
      %select_n3A_83 = arith.select %ge3A_81, %select_n3A_72, %scan3A_52 : i32
      scf.yield %select_n3A_82, %select_n3A_83 : i32, i32
    }
    %iota3A = tpu.iota {dimensions = array<i32: 0>} : vector<8x128xi32>
    %iota3A_32 = tpu.iota {dimensions = array<i32: 1>} : vector<8x128xi32>
    %eq3A_33 = arith.constant 0 : i32
    %eq3A_34 = vector.broadcast %eq3A_33 : i32 to vector<8x128xi32>
    %eq3A_35 = arith.cmpi eq, %iota3A_32, %eq3A_34 : vector<8x128xi32>
    %eq3A_36 = arith.constant 1 : i32
    %eq3A_37 = vector.broadcast %eq3A_36 : i32 to vector<8x128xi32>
    %eq3A_38 = arith.cmpi eq, %iota3A_32, %eq3A_37 : vector<8x128xi32>
    %jit3A = arith.constant 0 : i32
    %broadcast_in_dim3A = vector.broadcast %scan3A_31#1 : i32 to vector<8x128xi32>
    %broadcast_in_dim3A_39 = vector.broadcast %jit3A : i32 to vector<8x128xi32>
    %select_n3A = arith.select %eq3A_38, %broadcast_in_dim3A, %broadcast_in_dim3A_39 : vector<8x128xi1>, vector<8x128xi32>
    %broadcast_in_dim3A_40 = vector.broadcast %scan3A_15#0 : i32 to vector<8x128xi32>
    %select_n3A_41 = arith.select %eq3A_35, %broadcast_in_dim3A_40, %select_n3A : vector<8x128xi1>, vector<8x128xi32>
    %eq3A_42 = arith.constant 0 : i32
    %eq3A_43 = vector.broadcast %eq3A_42 : i32 to vector<8x128xi32>
    %eq3A_44 = arith.cmpi eq, %iota3A, %eq3A_43 : vector<8x128xi32>
    %jit3A_45 = arith.constant 0 : i32
    %broadcast_in_dim3A_46 = vector.broadcast %jit3A_45 : i32 to vector<8x128xi32>
    %select_n3A_47 = arith.select %eq3A_44, %select_n3A_41, %broadcast_in_dim3A_46 : vector<8x128xi1>, vector<8x128xi32>
    %swap3A = arith.constant 0 : index
    %swap3A_48 = arith.constant 0 : index
    %swap3A_49 = vector.load %arg3[%swap3A, %swap3A_48] : memref<8x128xi32, #tpu.memory_space<vmem>>, vector<8x128xi32>
    tpu.vector_store %arg3[%swap3A, %swap3A_48], %select_n3A_47 {strides = array<i32>} : memref<8x128xi32, #tpu.memory_space<vmem>>, vector<8x128xi32>,
    return
  }
}

module attributes {stable_mosaic.version = 14 : i64} {
  func.func @_emit_body(%arg0: i32, %arg1: memref<2xi32, #tpu.memory_space<smem>>, %arg2: memref<80x10000xf32, #tpu.memory_space<vmem>>, %arg3: memref<80x10000xf32, #tpu.memory_space<vmem>>, %arg4: memref<80x10000xf32, #tpu.memory_space<vmem>>) attributes {dimension_semantics = [#tpu.dimension_semantics<arbitrary>], iteration_bounds = array<i64: 125>, scalar_prefetch = 0 : i64, scratch_operands = 0 : i64, tpu.core_type = #tpu.core_type<tc>, window_params = [{transform_indices = @transform_0, window_bounds = array<i64: 2>}, {transform_indices = @transform_1, window_bounds = array<i64: 80, 10000>}, {transform_indices = @transform_2, window_bounds = array<i64: 80, 10000>}, {transform_indices = @transform_3, window_bounds = array<i64: 80, 10000>}]} {
    %get3A = arith.constant 0 : index
    %get3A_0 = memref.load %arg1[%get3A] : memref<2xi32, #tpu.memory_space<smem>>
    %get3A_1 = arith.constant 1 : index
    %get3A_2 = memref.load %arg1[%get3A_1] : memref<2xi32, #tpu.memory_space<smem>>
    %get3A_3 = arith.constant 0 : index
    %get3A_4 = arith.constant 0 : index
    %get3A_5 = vector.load %arg2[%get3A_3, %get3A_4] : memref<80x10000xf32, #tpu.memory_space<vmem>>, vector<80x10000xf32>
    %bitcast_convert_type3A = tpu.bitcast %get3A_5 : vector<80x10000xf32> -> vector<80x10000xi32>
    %iota3A = tpu.iota {dimensions = array<i32: 0>} : vector<80x10000xi32>
    %iota3A_6 = tpu.iota {dimensions = array<i32: 1>} : vector<80x10000xi32>
    %mul3A = arith.constant 80 : i32
    %mul3A_7 = arith.muli %arg0, %mul3A : i32
    %add3A = vector.broadcast %mul3A_7 : i32 to vector<80x10000xi32>
    %add3A_8 = arith.addi %add3A, %iota3A : vector<80x10000xi32>
    %mul3A_9 = arith.constant 10000 : i32
    %mul3A_10 = vector.broadcast %mul3A_9 : i32 to vector<80x10000xi32>
    %mul3A_11 = arith.muli %add3A_8, %mul3A_10 : vector<80x10000xi32>
    %add3A_12 = arith.addi %mul3A_11, %iota3A_6 : vector<80x10000xi32>
    %gt3A = vector.broadcast %get3A_0 : i32 to vector<80x10000xi32>
    %gt3A_13 = arith.cmpi sgt, %bitcast_convert_type3A, %gt3A : vector<80x10000xi32>
    %eq3A = vector.broadcast %get3A_0 : i32 to vector<80x10000xi32>
    %eq3A_14 = arith.cmpi eq, %bitcast_convert_type3A, %eq3A : vector<80x10000xi32>
    %le3A = vector.broadcast %get3A_2 : i32 to vector<80x10000xi32>
    %le3A_15 = arith.cmpi sle, %add3A_12, %le3A : vector<80x10000xi32>
    %and3A = arith.andi %eq3A_14, %le3A_15 : vector<80x10000xi1>
    %or3A = arith.ori %gt3A_13, %and3A : vector<80x10000xi1>
    %jit3A = arith.constant 1.000000e+00 : f32
    %jit3A_16 = arith.constant 0.000000e+00 : f32
    %broadcast_in_dim3A = vector.broadcast %jit3A : f32 to vector<80x10000xf32>
    %broadcast_in_dim3A_17 = vector.broadcast %jit3A_16 : f32 to vector<80x10000xf32>
    %select_n3A = arith.select %or3A, %broadcast_in_dim3A, %broadcast_in_dim3A_17 : vector<80x10000xi1>, vector<80x10000xf32>
    %swap3A = arith.constant 0 : index
    %swap3A_18 = arith.constant 0 : index
    %swap3A_19 = vector.load %arg4[%swap3A, %swap3A_18] : memref<80x10000xf32, #tpu.memory_space<vmem>>, vector<80x10000xf32>
    tpu.vector_store %arg4[%swap3A, %swap3A_18], %select_n3A {strides = array<i32>} : memref<80x10000xf32, #tpu.memory_space<vmem>>, vector<80x10000xf32>,
    %jit3A_20 = arith.constant 0.000000e+00 : f32
    %broadcast_in_dim3A_21 = vector.broadcast %jit3A_20 : f32 to vector<80x10000xf32>
    %select_n3A_22 = arith.select %or3A, %get3A_5, %broadcast_in_dim3A_21 : vector<80x10000xi1>, vector<80x10000xf32>
    %swap3A_23 = arith.constant 0 : index
    %swap3A_24 = arith.constant 0 : index
    %swap3A_25 = vector.load %arg3[%swap3A_23, %swap3A_24] : memref<80x10000xf32, #tpu.memory_space<vmem>>, vector<80x10000xf32>
    tpu.vector_store %arg3[%swap3A_23, %swap3A_24], %select_n3A_22 {strides = array<i32>} : memref<80x10000xf32, #tpu.memory_space<vmem>>, vector<80x10000xf32>,
    return
  }
  func.func @transform_0(%arg0: i32) -> i32 {
    %c0_i32 = arith.constant 0 : i32
    %c0_i32_0 = arith.constant 0 : i32
    return %c0_i32 : i32
  }
  func.func @transform_1(%arg0: i32) -> (i32, i32) {
    %c0_i32 = arith.constant 0 : i32
    %c0_i32_0 = arith.constant 0 : i32
    return %arg0, %c0_i32 : i32, i32
  }
  func.func @transform_2(%arg0: i32) -> (i32, i32) {
    %c0_i32 = arith.constant 0 : i32
    %c0_i32_0 = arith.constant 0 : i32
    return %arg0, %c0_i32 : i32, i32
  }
  func.func @transform_3(%arg0: i32) -> (i32, i32) {
    %c0_i32 = arith.constant 0 : i32
    %c0_i32_0 = arith.constant 0 : i32
    return %arg0, %c0_i32 : i32, i32
  }
}

module attributes {stable_mosaic.version = 14 : i64} {
  func.func @_findbucket_body(%arg0: memref<32x16384xi32, #tpu.memory_space<vmem>>, %arg1: memref<8x128xi32, #tpu.memory_space<vmem>>) attributes {dimension_semantics = [], scalar_prefetch = 0 : i64, scratch_operands = 0 : i64, tpu.core_type = #tpu.core_type<tc>} {
    %get3A = arith.constant 0 : index
    %get3A_0 = arith.constant 0 : index
    %get3A_1 = vector.load %arg0[%get3A, %get3A_0] : memref<32x16384xi32, #tpu.memory_space<vmem>>, vector<32x16384xi32>
    %reduce_sum3A = arith.constant dense<0> : vector<16384xi32>
    %reduce_sum3A_2 = vector.multi_reduction <add>, %get3A_1, %reduce_sum3A [0] : vector<32x16384xi32> to vector<16384xi32>
    %broadcast_in_dim3A = vector.shape_cast %reduce_sum3A_2 : vector<16384xi32> to vector<1x16384xi32>
    %iota3A = tpu.iota {dimensions = array<i32: 1>} : vector<1x16384xi32>
    %scan3A = arith.constant 0 : i32
    %scan3A_3 = arith.constant 16384 : i32
    %scan3A_4 = arith.constant 0 : i32
    %scan3A_5 = arith.constant 14 : i32
    %scan3A_6 = arith.addi %scan3A_4, %scan3A_5 : i32
    %scan3A_7 = arith.constant 1 : i32
    %scan3A_8:2 = scf.for %scan3A_38 = %scan3A_4 to %scan3A_6 step %scan3A_7 iter_args(%scan3A_39 = %scan3A, %scan3A_40 = %scan3A_3) -> (i32, i32)  : i32 {
      %add3A_41 = arith.addi %scan3A_39, %scan3A_40 : i32
      %jit3A_42 = arith.constant 2 : i32
      %div3A = arith.divsi %add3A_41, %jit3A_42 : i32
      %sign3A = arith.constant 0 : i32
      %sign3A_43 = arith.cmpi sgt, %add3A_41, %sign3A : i32
      %sign3A_44 = arith.extui %sign3A_43 : i1 to i32
      %sign3A_45 = arith.constant 0 : i32
      %sign3A_46 = arith.cmpi slt, %add3A_41, %sign3A_45 : i32
      %sign3A_47 = arith.extui %sign3A_46 : i1 to i32
      %sign3A_48 = arith.subi %sign3A_44, %sign3A_47 : i32
      %sign3A_49 = arith.constant 0 : i32
      %sign3A_50 = arith.cmpi sgt, %jit3A_42, %sign3A_49 : i32
      %sign3A_51 = arith.extui %sign3A_50 : i1 to i32
      %sign3A_52 = arith.constant 0 : i32
      %sign3A_53 = arith.cmpi slt, %jit3A_42, %sign3A_52 : i32
      %sign3A_54 = arith.extui %sign3A_53 : i1 to i32
      %sign3A_55 = arith.subi %sign3A_51, %sign3A_54 : i32
      %ne3A = arith.cmpi ne, %sign3A_48, %sign3A_55 : i32
      %rem3A = arith.remsi %add3A_41, %jit3A_42 : i32
      %ne3A_56 = arith.constant 0 : i32
      %ne3A_57 = arith.cmpi ne, %rem3A, %ne3A_56 : i32
      %and3A = arith.andi %ne3A, %ne3A_57 : i1
      %sub3A = arith.constant 1 : i32
      %sub3A_58 = arith.subi %div3A, %sub3A : i32
      %select_n3A_59 = arith.select %and3A, %sub3A_58, %div3A : i32
      %ge3A_60 = vector.broadcast %select_n3A_59 : i32 to vector<1x16384xi32>
      %ge3A_61 = arith.cmpi sge, %iota3A, %ge3A_60 : vector<1x16384xi32>
      %jit3A_62 = arith.constant 0 : i32
      %broadcast_in_dim3A_63 = vector.broadcast %jit3A_62 : i32 to vector<1x16384xi32>
      %select_n3A_64 = arith.select %ge3A_61, %broadcast_in_dim3A, %broadcast_in_dim3A_63 : vector<1x16384xi1>, vector<1x16384xi32>
      %reduce_sum3A_65 = vector.shape_cast %select_n3A_64 : vector<1x16384xi32> to vector<1x1x16384xi32>
      %reduce_sum3A_66 = arith.constant dense<0> : vector<1xi32>
      %reduce_sum3A_67 = vector.multi_reduction <add>, %reduce_sum3A_65, %reduce_sum3A_66 [1, 2] : vector<1x1x16384xi32> to vector<1xi32>
      %reduce_sum3A_68 = vector.shape_cast %reduce_sum3A_67 : vector<1xi32> to vector<1x1x1xi32>
      %reduce_sum3A_69 = vector.extract %reduce_sum3A_68[0, 0, 0] : i32 from vector<1x1x1xi32>
      %ge3A_70 = arith.constant 160000 : i32
      %ge3A_71 = arith.cmpi sge, %reduce_sum3A_69, %ge3A_70 : i32
      %select_n3A_72 = arith.select %ge3A_71, %select_n3A_59, %scan3A_39 : i32
      %select_n3A_73 = arith.select %ge3A_71, %scan3A_40, %select_n3A_59 : i32
      scf.yield %select_n3A_72, %select_n3A_73 : i32, i32
    }
    %add3A = arith.constant 1 : i32
    %add3A_9 = arith.addi %scan3A_8#0, %add3A : i32
    %ge3A = vector.broadcast %add3A_9 : i32 to vector<1x16384xi32>
    %ge3A_10 = arith.cmpi sge, %iota3A, %ge3A : vector<1x16384xi32>
    %jit3A = arith.constant 0 : i32
    %broadcast_in_dim3A_11 = vector.broadcast %jit3A : i32 to vector<1x16384xi32>
    %select_n3A = arith.select %ge3A_10, %broadcast_in_dim3A, %broadcast_in_dim3A_11 : vector<1x16384xi1>, vector<1x16384xi32>
    %reduce_sum3A_12 = vector.shape_cast %select_n3A : vector<1x16384xi32> to vector<1x1x16384xi32>
    %reduce_sum3A_13 = arith.constant dense<0> : vector<1xi32>
    %reduce_sum3A_14 = vector.multi_reduction <add>, %reduce_sum3A_12, %reduce_sum3A_13 [1, 2] : vector<1x1x16384xi32> to vector<1xi32>
    %reduce_sum3A_15 = vector.shape_cast %reduce_sum3A_14 : vector<1xi32> to vector<1x1x1xi32>
    %reduce_sum3A_16 = vector.extract %reduce_sum3A_15[0, 0, 0] : i32 from vector<1x1x1xi32>
    %iota3A_17 = tpu.iota {dimensions = array<i32: 0>} : vector<8x128xi32>
    %iota3A_18 = tpu.iota {dimensions = array<i32: 1>} : vector<8x128xi32>
    %eq3A = arith.constant 0 : i32
    %eq3A_19 = vector.broadcast %eq3A : i32 to vector<8x128xi32>
    %eq3A_20 = arith.cmpi eq, %iota3A_18, %eq3A_19 : vector<8x128xi32>
    %eq3A_21 = arith.constant 1 : i32
    %eq3A_22 = vector.broadcast %eq3A_21 : i32 to vector<8x128xi32>
    %eq3A_23 = arith.cmpi eq, %iota3A_18, %eq3A_22 : vector<8x128xi32>
    %jit3A_24 = arith.constant 0 : i32
    %broadcast_in_dim3A_25 = vector.broadcast %reduce_sum3A_16 : i32 to vector<8x128xi32>
    %broadcast_in_dim3A_26 = vector.broadcast %jit3A_24 : i32 to vector<8x128xi32>
    %select_n3A_27 = arith.select %eq3A_23, %broadcast_in_dim3A_25, %broadcast_in_dim3A_26 : vector<8x128xi1>, vector<8x128xi32>
    %broadcast_in_dim3A_28 = vector.broadcast %scan3A_8#0 : i32 to vector<8x128xi32>
    %select_n3A_29 = arith.select %eq3A_20, %broadcast_in_dim3A_28, %select_n3A_27 : vector<8x128xi1>, vector<8x128xi32>
    %eq3A_30 = arith.constant 0 : i32
    %eq3A_31 = vector.broadcast %eq3A_30 : i32 to vector<8x128xi32>
    %eq3A_32 = arith.cmpi eq, %iota3A_17, %eq3A_31 : vector<8x128xi32>
    %jit3A_33 = arith.constant 0 : i32
    %broadcast_in_dim3A_34 = vector.broadcast %jit3A_33 : i32 to vector<8x128xi32>
    %select_n3A_35 = arith.select %eq3A_32, %select_n3A_29, %broadcast_in_dim3A_34 : vector<8x128xi1>, vector<8x128xi32>
    %swap3A = arith.constant 0 : index
    %swap3A_36 = arith.constant 0 : index
    %swap3A_37 = vector.load %arg1[%swap3A, %swap3A_36] : memref<8x128xi32, #tpu.memory_space<vmem>>, vector<8x128xi32>
    tpu.vector_store %arg1[%swap3A, %swap3A_36], %select_n3A_35 {strides = array<i32>} : memref<8x128xi32, #tpu.memory_space<vmem>>, vector<8x128xi32>,
    return
  }
}

</mosaic_0001>

<sc_bundles>
// kernel: kernel.10.cloned.1.call-start
scs
__scs_entry_jumppad:
0x0: {  	(pc) =	sbr.rel $0x88, $3  }
0x1: {  	(tag) =	ssettag $0x0;
	lr =	simm.s32 $0x1  }
0x2: {  	[smem:$0x3FA0] =	sst lr;
	_ =	strace $0xD0000000  }
0x3: {  	_ = 	snop  }
0x4: {  	_ = 	snop  }
0x5: {  	_ = 	snop  }
0x6: {  	_ = 	snop  }
0x7: {  	_ = 	snop  }
__scs_overlays_trampoline_lowered:
0x8: {  	[smem:$0x3FAF] =	sst s0  }
0x9: {  	[smem:$0x3FB0] =	sst s1  }
0xa: {  	[smem:$0x3FB1] =	sst s2  }
0xb: {  	[smem:$0x3FB2] =	sst s3  }
0xc: {  	[smem:$0x3FB3] =	sst s4  }
0xd: {  	[smem:$0x3FB4] =	sst s5  }
0xe: {  	[smem:$0x3FB5] =	sst s6  }
0xf: {  	[smem:$0x3FB6] =	sst s7  }
0x10: {  	[smem:$0x3FB7] =	sst s8  }
0x11: {  	[smem:$0x3FB8] =	sst s9;
	s0 =	simm.s32 @!p0 $0x0  }
0x12: {  	s1 =	sld [smem:$0x3F9E];
	s0 =	simm.s32 @p0 $0x1  }
0x13: {  	[smem:$0x3FB9] =	sst s0;
	s0 =	simm.s32 @!p1 $0x0  }
0x14: {  	s2 =	sld [smem:$0x3F9D];
	s0 =	simm.s32 @p1 $0x1  }
0x15: {  	[smem:$0x3FBA] =	sst s0;
	s0 =	simm.s32 @!p2 $0x0  }
0x16: {  	s3 =	sld [smem:$0x3FDB];
	s0 =	simm.s32 @p2 $0x1  }
0x17: {  	s4 =	simm.s32 $0x1BF5;
	[smem:$0x3FBC] =	sst s0  }
0x18: {  	s0 =	sld [smem:$0x3F9F];
	_ =	swait.ge [sflag:s4], $0x0  }
0x19: {  	s7 =	sld [smem:$0x3FA0]  }
0x1a: {  	s8 =	sadd.s32 $0xFFFFE003, lr  }
0x1b: {  	s9 =	sadd.s32 $0xFFFFFEF7, lr;
	s5 =	simm.s32 $0xFFFFFFFF;
	p2 =	slt.u32 s8, $0xFFFFF086  }
0x1c: {  	p1 =	slt.u32 s9, $0xF7A;
	s5 =	simm.s32 @!p2 $0x0  }
0x1d: {  	s5 =	simm.s32 @p1 $0x1;
	p0 =	seq.s32 s7, s2  }
0x1e: {  	s7 =	smul.u32 @!p0 $0xF7A, s2;
	p2 =	seq.s32 @!p0 s5, $0x0  }
0x1f: {  	s9 =	smul.u32 $0xF7A, s1;
	s8 =	simm.s32 @!p0 $0x1BF5;
	p2 =	por !p2, p0  }
0x20: {  	[sflag:s8] =	ssyncset.s32 @!p0 $0xFFFFF086;
	s6 =	sadd.s32 @!p0 s3, s7;
	s7 =	simm.s32 @!p0 $0x108  }
0x21: {  	s3 =	sadd.s32 s3, s9;
	s6 =	sadd.s32 @!p0 $0x88, s6;
	s7 =	simm.s32 @p2 $0x1082  }
0x22: {  	[simem:s7], [sflag:s8] =	dma.local @!p0 [hbm:s6], $0xF7A  }
0x23: {  	s9 =	sor.u32 $0xD0000000, s2;
	s6 =	simm.s32 $0x108;
	_ =	swait.ge @!p0 [sflag:s8], $0x0  }
0x24: {  	s3 =	sadd.s32 $0x88, s3;
	s6 =	simm.s32 @!p1 $0x1082;
	[sflag:s4] =	ssyncset.s32 $0xFFFFF086  }
0x25: {  	[simem:s6], [sflag:s4] =	dma.local [hbm:s3], $0xF7A  }
0x26: {  	[smem:$0x3FA0] =	sst s1;
	(tag) =	ssettag s2;
	_ =	strace s9  }
0x27: {  	s1 =	sld [smem:$0x3FB0]  }
0x28: {  	s2 =	sld [smem:$0x3FB1]  }
0x29: {  	s4 =	sld [smem:$0x3FB3]  }
0x2a: {  	p0 =	seq.s32 s5, $0x0;
	s5 =	sld [smem:$0x3FB4]  }
0x2b: {  	s6 =	sld [smem:$0x3FB5]  }
0x2c: {  	s7 =	sld [smem:$0x3FB6]  }
0x2d: {  	s3 =	simm.s32 $0x108;
	s8 =	sld [smem:$0x3FB7]  }
0x2e: {  	s3 =	simm.s32 @!p0 $0x1082;
	s9 =	sld [smem:$0x3FB8]  }
0x2f: {  	lr =	sadd.s32 s0, s3;
	s0 =	sld [smem:$0x3FAF]  }
0x30: {  	s3 =	sld [smem:$0x3FB2]  }
0x31: {  	[smem:$0x3FBB] =	sst s10  }
0x32: {  	s10 =	sld [smem:$0x3FB9];
	_ =	sdelay $0x3  }
0x33: {  	p0 =	seq.s32 s10, $0x1;
	s10 =	sld [smem:$0x3FBB];
	_ =	sdelay $0x3  }
0x34: {  	[smem:$0x3FBB] =	sst s10  }
0x35: {  	s10 =	sld [smem:$0x3FBA];
	_ =	sdelay $0x3  }
0x36: {  	p1 =	seq.s32 s10, $0x1;
	s10 =	sld [smem:$0x3FBB];
	_ =	sdelay $0x3  }
0x37: {  	[smem:$0x3FBB] =	sst s10  }
0x38: {  	s10 =	sld [smem:$0x3FBC]  }
0x39: {  	_ = 	snop;
	(pc) =	sbr.ind lr, $3  }
0x3a: {  	_ = 	snop  }
0x3b: {  	_ = 	snop  }
0x3c: {  	p2 =	seq.s32 s10, $0x1;
	s10 =	sld [smem:$0x3FBB]  }
0x3d: {  	_ =	shalt  }
0x3e: {  	_ =	shalt  }
0x3f: {  	_ =	shalt  }
0x40: {  	_ =	shalt  }
0x41: {  	_ =	shalt  }
0x42: {  	_ =	shalt  }
0x43: {  	_ =	shalt  }
0x44: {  	_ =	shalt  }
0x45: {  	_ =	shalt  }
0x46: {  	_ =	shalt  }
0x47: {  	_ =	shalt  }
0x48: {  	_ =	shalt  }
0x49: {  	_ =	shalt  }
0x4a: {  	_ =	shalt  }
0x4b: {  	_ =	shalt  }
0x4c: {  	_ =	shalt  }
0x4d: {  	_ =	shalt  }
0x4e: {  	_ =	shalt  }
0x4f: {  	_ =	shalt  }
0x50: {  	_ =	shalt  }
0x51: {  	_ =	shalt  }
0x52: {  	_ =	shalt  }
0x53: {  	_ =	shalt  }
0x54: {  	_ =	shalt  }
0x55: {  	_ =	shalt  }
0x56: {  	_ =	shalt  }
0x57: {  	_ =	shalt  }
0x58: {  	_ =	shalt  }
0x59: {  	_ =	shalt  }
0x5a: {  	_ =	shalt  }
0x5b: {  	_ =	shalt  }
0x5c: {  	_ =	shalt  }
0x5d: {  	_ =	shalt  }
0x5e: {  	_ =	shalt  }
0x5f: {  	_ =	shalt  }
0x60: {  	_ =	shalt  }
0x61: {  	_ =	shalt  }
0x62: {  	_ =	shalt  }
0x63: {  	_ =	shalt  }
0x64: {  	_ =	shalt  }
0x65: {  	_ =	shalt  }
0x66: {  	_ =	shalt  }
0x67: {  	_ =	shalt  }
0x68: {  	_ =	shalt  }
0x69: {  	_ =	shalt  }
0x6a: {  	_ =	shalt  }
0x6b: {  	_ =	shalt  }
0x6c: {  	_ =	shalt  }
0x6d: {  	_ =	shalt  }
0x6e: {  	_ =	shalt  }
0x6f: {  	_ =	shalt  }
0x70: {  	_ =	shalt  }
0x71: {  	_ =	shalt  }
0x72: {  	_ =	shalt  }
0x73: {  	_ =	shalt  }
0x74: {  	_ =	shalt  }
0x75: {  	_ =	shalt  }
0x76: {  	_ =	shalt  }
0x77: {  	_ =	shalt  }
0x78: {  	_ =	shalt  }
0x79: {  	_ =	shalt  }
0x7a: {  	_ =	shalt  }
0x7b: {  	_ =	shalt  }
0x7c: {  	_ =	shalt  }
0x7d: {  	_ =	shalt  }
0x7e: {  	_ =	shalt  }
0x7f: {  	_ =	shalt  }
0x80: {  	_ =	shalt  }
0x81: {  	_ =	shalt  }
0x82: {  	_ =	shalt  }
0x83: {  	_ =	shalt  }
0x84: {  	_ =	shalt  }
0x85: {  	_ =	shalt  }
0x86: {  	_ =	shalt  }
0x87: {  	_ =	shalt  }
.Lfunc_end0:
.L_simem_size_0:
called_computation.1_lowered:
.L_overlay_start_0:
0x88: {  	s2 =	sld [smem:$0x3FD9]  }
0x89: {  	s3 =	sld [smem:$0x3FFE];
	_ =	sdelay $0x1  }
0x8a: {  	s1 =	srdreg.scid  }
0x8b: {  	s0 =	sand.u32 $0x1, s1  }
0x8c: {  	s14 =	sshll.u32 s0, $0xA;
	s2 =	sadd.s32 s3, s2  }
0x8d: {  	s2 =	sadd.s32 s2, s14  }
0x8e: {  	[smem:$0x3FC7] =	sst s2  }
0x8f: {  	_ = 	snop  }
0x90: {  	s2 =	sld [smem:$0x3FD0];
	_ =	sdelay $0x2  }
0x91: {  	s15 =	simm.s32 $0xA;
	s4 =	simm.s32 $0x10  }
0x92: {  	[smem:s4], [sflag:s15] =	dma.local [hbm:s2], $0x1  }
0x93: {  	_ =	swait.eq [sflag:s15], $0x1  }
0x94: {  	[sflag:s15] =	ssyncset.done $0x0  }
0x95: {  	s16 =	sld [smem:$0x10];
	[sflag:s15] =	ssyncadd.s32 $0xFFFFFFFF  }
0x96: {  	s17 =	sld [smem:$0x11];
	(tm) =	ssettm $0x1  }
0x97: {  	s18 =	sld [smem:$0x3FFB];
	_ =	sdelay $0x3  }
0x98: {  	_ =	strace s18  }
0x99: {  	s4 =	sld [smem:$0x3FFC];
	_ =	sdelay $0x3  }
0x9a: {  	_ =	strace s4  }
0x9b: {  	s4 =	sld [smem:$0x3FFD];
	_ =	sdelay $0x3  }
0x9c: {  	_ =	strace s4  }
0x9d: {  	_ =	strace $0x8FFFFFFF  }
0x9e: {  	s19 =	sld [smem:$0x3FDB];
	_ =	sdelay $0x1  }
0x9f: {  	s5 =	simm.s32 $_scs_section_size  }
0xa0: {  	s6 =	simm.s32 $_size__tile_overlayer_lowered;
	s7 =	simm.s32 $_tile_overlayer_lowered  }
0xa1: {  	s22 =	simm.s32 $0x1BFF;
	s21 =	sshll.u32 s7, $0x1;
	s4 =	sadd.s32 s5, s19  }
0xa2: {  	s8 =	simm.s32 $0x0;
	s20 =	sshll.u32 s6, $0x1;
	s6 =	sadd.s32 s21, s4  }
0xa3: {  	[timem:s8], [sflag:s22] =	dma.local [hbm:s6], s20  }
0xa4: {  	_ =	swait.ge [sflag:s22], s20  }
0xa5: {  	s5 =	ssub.s32 $0x0, s20;
	[sflag:s22] =	ssyncset.done $0x0  }
0xa6: {  	[sflag:s22] =	ssyncadd.s32 s5;
	_ =	sdelay $0x1  }
0xa7: {  	s23 =	simm.s32 $0x1B8B  }
0xa8: {  	_ =	swait.ge [sflag:s23], $0x1  }
0xa9: {  	[sflag:s23] =	ssyncset.done $0x0  }
0xaa: {  	s25 =	simm.s32 $0x1B8E;
	s24 =	sld [smem:$0x3FFE];
	[sflag:s23] =	ssyncadd.s32 $0xFFFFFFFF  }
0xab: {  	s26 =	simm.s32 $execute0_lowered;
	[smem:$0x3FD2] =	sst s25  }
0xac: {  	s6 =	sshll.u32 s26, $0x1;
	_ =	strace $0x80000049;
	[dreg:$0x1] =	wrdreg $0xFFFFFFFF  }
0xad: {  	s28 =	simm.s32 $_size_execute0_lowered;
	s4 =	sadd.s32 s4, s6;
	[dreg:$0x0] =	wrdreg $0x0  }
0xae: {  	s6 =	sshll.u32 s28, $0x1;
	[dreg:$0x2] =	wrdreg s4  }
0xaf: {  	[dreg:$0x3] =	wrdreg s6  }
0xb0: {  	[dreg:$0x4] =	wrdreg $0xC0  }
0xb1: {  	_ =	task [dreg:s8], $0x5FFFF  }
0xb2: {  	[dreg:$0x1] =	wrdreg $0xFFFFFFFF  }
0xb3: {  	[dreg:$0x0] =	wrdreg $0x60  }
0xb4: {  	[dreg:$0x2] =	wrdreg s17  }
0xb5: {  	[dreg:$0x3] =	wrdreg s24  }
0xb6: {  	[dreg:$0x4] =	wrdreg s16  }
0xb7: {  	[dreg:$0x5] =	wrdreg $0x9  }
0xb8: {  	_ =	task.clear_ibuf [dreg:s8], $0x6FFFF;
	_ =	strace $0x90000049  }
0xb9: {  	s29 =	simm.s32 $0x9;
	_ =	strace $0x8000004B  }
0xba: {  	_ =	swait.ge [sflag:s29], $0x1  }
0xbb: {  	[sflag:s29] =	ssyncadd.s32 $0xFFFFFFFF  }
0xbc: {  	_ =	strace $0x9000004B  }
0xbd: {  	_ =	sfence  }
0xbe: {  	s30 =	sld [smem:$0x0];
	_ =	sdelay $0x2  }
0xbf: {  	s31 =	sshll.u32 s1, $0xD;
	s1 =	sshrl.u32 s1, $0x2  }
0xc0: {  	s3 =	sand.u32 $0x4000, s31;
	s1 =	sadd.s32 s1, s30  }
0xc1: {  	s0 =	sor.u32 s3, s0;
	s1 =	sshll.u32 s1, $0x11  }
0xc2: {  	s0 =	sor.u32 s1, s0  }
0xc3: {  	s0 =	sadd.s32 $0x8F2B, s0  }
0xc4: {  	[sflag:s0] =	ssyncadd.remote.s32 $0x1  }
0xc5: {  	_ =	sfence.sel $0xFFFF  }
0xc6: {  	[dreg:$0x0] =	wrdreg $0xFFFFFFFF;
	(pc) =	sbr.abs _section_cstart, $3  }
0xc7: {  	[dreg:$0x1] =	wrdreg $0xFFFFFFFF  }
0xc8: {  	_ =	task.clear_ibuf [dreg:s8], $0x2FFFF;
	_ =	strace $0x9FFFFFFF  }
0xc9: {  	(tm) =	ssettm $0x7FFFFFFF  }
tec
execute0_lowered:
.L_overlay_start_1:
0x0: {  	(tag) =	ssettag $0x1  }
0x1: {  	s1 =	rddreg [dreg:$0x0]  }
0x2: {  	s0 =	rddreg [dreg:$0x1]  }
0x3: {  	s9 =	rddreg [dreg:$0x2]  }
0x4: {  	s4 =	srdreg.scid;
	s2 =	stileid.u32  }
0x5: {  	s3 =	simm.s32 $0x0;
	s10 =	sand.u32 $0x1, s4;
	s18 =	sshll.u32 s2, $0x1  }
0x6: {  	[smem:$0x7FF] =	sst s3;
	s5 =	sshll.u32 s2, $0xD;
	s4 =	sadd.s32 $0x1600, s0  }
0x7: {  	p0 =	slt.u32 s2, $0x8;
	s28 =	smul.u32 $0x5F8520, s2;
	p2 =	sgt.u32 s2, $0x7  }
0x8: {  	s7 =	sor.u32 s10, s18;
	_ =	strace $0x8000004A;
	s29 =	smul.u32 $0x2FC290, s10  }
0x9: {  	s8 =	ssub.s32 $0x2, s10;
	s18 =	simm.s32 $0x4F00;
	s19 =	smul.u32 $0x138, s7  }
0xa: {  	s6 =	sshll.u32 s7, $0x4;
	s12 =	smul.u32 $0x139, s7;
	s13 =	sshrl.u32 s8, $0x1  }
0xb: {  	s24 =	smul.u32 $0x2FC290, s7;
	s5 =	sor.u32 s5, s6;
	s13 =	ssub.s32 s8, s13  }
0xc: {  	s31 =	sadd.s32 s29, s28;
	s11 =	sand.u32 $0x18070, s5;
	s5 =	sadd.s32 $0x10, s19  }
0xd: {  	s8 =	sadd.s32 $0x139, s12;
	s6 =	sadd.s32 $0x148, s19;
	s19 =	simm.s32 $0xCF00  }
0xe: {  	s0 =	sadd.s32 s11, s0;
	s5 =	smov.u32 @p0 s12;
	s6 =	smov.u32 @p0 s8  }
0xf: {  	s9 =	sadd.s32 s9, s11;
	s11 =	smax.u32 s13, $0x1;
	s20 =	sshrl.u32 s5, $0x3  }
0x10: {  	s17 =	sadd.s32 $0x1, s5;
	s15 =	sshll.u32 s5, $0x7;
	s30 =	smul.u32 $0x2710, s5  }
0x11: {  	s10 =	sadd.s32 $0x1800, s0;
	p0 =	sge.u32 s5, s6;
	s12 =	smul.u32 $0x13C00, s20  }
0x12: {  	s14 =	sshrl.u32 s17, $0x3;
	s16 =	sshll.u32 s17, $0x7;
	s21 =	sand.u32 $0x380, s15  }
0x13: {  	s15 =	simm.s32 $0x14F00;
	p1 =	sge.u32 s17, s6;
	s17 =	simm.s32 $0x1  }
0x14: {  	s20 =	simm.s32 $0x2;
	s14 =	smul.u32 $0x13C00, s14;
	s22 =	sand.u32 $0x380, s16  }
.Ltmp0:
0x15: {  	s13 =	sadd.s32 $0x2780, s30;
	s16 =	simm.s32 $0x3;
	(pc) =	sbr.rel .LBB2_1-.Ltmp0, $4  }
0x16: {  	s8 =	sor.u32 s21, s12;
	s21 =	sadd.s32 $0x2FC280, s24;
	s12 =	sadd.s32 $0x70, s30  }
0x17: {  	v0 =	vlaneseq.u32;
	s23 =	sor.u32 s22, s14;
	s25 =	sshrl.u32 s8, $0x3;
	s14 =	sadd.s32 $0x2F9BF0, s31  }
0x18: {  	v1 =	vor.u32 s21, v0;
	s21 =	simm.s32 $0x80;
	s22 =	simm.s32 $0x400;
	s26 =	sshrl.u32 s23, $0x3  }
0x19: {  	v2 =	vimm.s32 $0xFFFFFFFF;
	v3 =	vimm.s32 $0x1;
	s7 =	sadd.s32 s1, s25;
	s23 =	simm.s32 $0x0;
	s8 =	sadd.s32 s1, s26  }
.LBB2_13:
0x1a: {  	[hbm4b:s9+s21] =	stream.strided.scatter [tilespmem:s18], [sflag:$0x3], $0x8000, s22, s21, $0x38;
	[tilespmem:$0x14F80] =	vst v63  }
0x1b: {  	s23 =	sadd.s32 $0x1, s23;
	_ =	swait.ge [sflag:s16], $0x8000  }
0x1c: {  	p3 =	sne.s32 s23, s11;
	[sflag:s16] =	ssyncset.done $0x0  }
.Ltmp1:
0x1d: {  	[sflag:s16] =	ssyncadd.s32 $0xFFFF8000;
	(pc) =	sbr.rel @!p3 .LBB2_14-.Ltmp1, $4  }
0x1e: {  	[hbm4b:s10+s21] =	stream.strided.scatter [tilespmem:s19], [sflag:$0x3], $0x8000, s22, s21, $0x38;
	[tilespmem:$0x14F80] =	vst v63  }
0x1f: {  	_ =	swait.ge [sflag:s16], $0x8000  }
0x20: {  	[sflag:s16] =	ssyncset.done $0x0  }
0x21: {  	[sflag:s16] =	ssyncadd.s32 $0xFFFF8000  }
.LBB2_1:
0x22: {  	s0 =	simm.s32 $0x0  }
0x23: {  	[tilespmem:s15], [sflag:$0x3] =	stream.linear.gather [hbm4b:s4+s0], $0x80, $0x38;
	[tilespmem:$0x14F80] =	vst v63  }
0x24: {  	_ =	swait.ge [sflag:s16], $0x80  }
0x25: {  	[sflag:s16] =	ssyncset.done $0x0  }
0x26: {  	[sflag:s16] =	ssyncadd.s32 $0xFFFFFF80  }
0x27: {  	s24 =	simm.s32 $0x200;
	s0 =	simm.s32 $0x0;
	v4 =	vld [tilespmem:$0x14F00]  }
.LBB2_2:
0x28: {  	p3 =	sne.s32 s24, $0x1FE00;
	[tilespmem:s0+$0x4F70] =	vst v2  }
0x29: {  	[tilespmem:s0+$0x4F00] =	vst v2  }
0x2a: {  	[tilespmem:s0+$0x4F10] =	vst v2  }
.Ltmp2:
0x2b: {  	[tilespmem:s0+$0x4F20] =	vst v2;
	(pc) =	sbr.rel @p3 .LBB2_2-.Ltmp2, $4  }
0x2c: {  	[tilespmem:s0+$0x4F30] =	vst v2  }
0x2d: {  	[tilespmem:s0+$0x4F40] =	vst v2  }
0x2e: {  	[tilespmem:s0+$0x4F50] =	vst v2  }
0x2f: {  	[tilespmem:s0+$0x4F60] =	vst v2;
	s0 =	sshra.s32 s24, $0x2;
	s24 =	sadd.s32 $0x200, s24  }
0x30: {  	[tilespmem:s0+$0x4F70] =	vst v2  }
0x31: {  	[tilespmem:s0+$0x4F00] =	vst v2  }
0x32: {  	[tilespmem:s0+$0x4F10] =	vst v2  }
0x33: {  	[tilespmem:s0+$0x4F20] =	vst v2  }
0x34: {  	[tilespmem:s0+$0x4F30] =	vst v2  }
0x35: {  	[tilespmem:s0+$0x4F40] =	vst v2  }
0x36: {  	[tilespmem:s0+$0x4F50] =	vst v2  }
0x37: {  	[tilespmem:s0+$0x4F60] =	vst v2;
	s0 =	simm.s32 @!p0 $0x80;
	s24 =	simm.s32 @!p0 $0x400;
	s25 =	simm.s32 @!p0 $0x0  }
0x38: {  	[tilespmem:s25], [sflag:$0x1] =	stream.strided.gather @!p0 [hbm4b:s7+s0], $0x2780, s24, s0, $0x38;
	[tilespmem:$0x14F80] =	vst v63  }
0x39: {  	s0 =	simm.s32 @!p1 $0x80;
	s24 =	simm.s32 @!p1 $0x400;
	s25 =	simm.s32 @!p1 $0x2780  }
0x3a: {  	[tilespmem:s25], [sflag:$0x2] =	stream.strided.gather @!p1 [hbm4b:s8+s0], $0x2780, s24, s0, $0x38;
	[tilespmem:$0x14F80] =	vst v63  }
0x3b: {  	v4 =	vbroadcast v4, $0x0;
	v6 =	vimm.s32 $0xFFFFFFFF;
	s26 =	smov.u32 s12;
	s24 =	simm.s32 $0x0;
	s25 =	smov.u32 s13  }
.LBB2_4:
0x3c: {  	_ =	swait.ge [sflag:s17], $0x2780  }
0x3d: {  	[sflag:s17] =	ssyncset.done $0x0  }
0x3e: {  	s0 =	simm.s32 $0x40;
	[sflag:s17] =	ssyncadd.s32 $0xFFFFD880  }
0x3f: {  	v20 =	vld [tilespmem:s0+$0xFFFFFFE0]  }
0x40: {  	v13 =	vld [tilespmem:s0+$0xFFFFFFC0]  }
0x41: {  	v16 =	vld [tilespmem:s0+$0xFFFFFFD0]  }
0x42: {  	v10 =	vld [tilespmem:s0+$0xFFFFFFF0]  }
0x43: {  	v5 =	vld [tilespmem:s0+$0x10]  }
0x44: {  	v24 =	vld [tilespmem:s0+$0x20]  }
0x45: {  	v25 =	vld [tilespmem:s0+$0x30]  }
0x46: {  	v7 =	vld [tilespmem:s0+$0x0]  }
0x47: {  	v8 =	vshra.s32 v13, $0x10  }
0x48: {  	v9 =	vshra.s32 v20, $0x10;
	vm7 =	veq.s32 v8, v4;
	v8 =	vshra.s32 v16, $0x10  }
0x49: {  	v11 =	vshra.s32 v5, $0x10;
	v12 =	vshra.s32 v24, $0x10;
	vm4 =	veq.s32 v8, v4;
	(xrf0) =	vadd.scan.msk.s32 vm7, v3  }
0x4a: {  	v14 =	vshra.s32 v25, $0x10;
	vm2 =	veq.s32 v9, v4;
	v8 =	vshra.s32 v10, $0x10;
	(xrf0) =	vadd.scan.msk.s32 vm4, v3  }
0x4b: {  	v9 =	vshra.s32 v7, $0x10;
	vm3 =	veq.s32 v8, v4;
	v8 =	vmpcnt.ones.xlane vm7;
	(xrf0) =	vadd.scan.msk.s32 vm2, v3  }
0x4c: {  	vm0 =	veq.s32 v11, v4;
	vm1 =	veq.s32 v9, v4;
	v9 =	vmpcnt.ones.xlane vm4;
	(xrf0) =	vadd.scan.msk.s32 vm3, v3  }
0x4d: {  	vm6 =	veq.s32 v12, v4;
	v11 =	vmpcnt.ones.xlane vm2;
	v8 =	vadd.s32 v6, v8;
	(xrf0) =	vadd.scan.msk.s32 vm1, v3  }
0x4e: {  	v15 =	vmpcnt.ones.xlane vm1;
	v12 =	vmpcnt.ones.xlane vm3;
	v9 =	vadd.s32 v8, v9;
	(xrf0) =	vadd.scan.msk.s32 vm0, v3  }
0x4f: {  	vm5 =	veq.s32 v14, v4;
	v11 =	vadd.s32 v9, v11;
	v14, _, _ =	vpop (xrf0);
	(xrf0) =	vadd.scan.msk.s32 vm6, v3  }
0x50: {  	v18 =	vadd.s32 v11, v12;
	v12 =	vmpcnt.ones.xlane vm0;
	v17, _, _ =	vpop (xrf0);
	(xrf0) =	vadd.scan.msk.s32 vm5, v3;
	v21 =	vadd.s32 v6, v14  }
0x51: {  	v19 =	vmpcnt.ones.xlane vm6;
	v14 =	vadd.s32 v18, v15;
	v6, _, _ =	vpop (xrf0);
	vm8 =	vlt.s32 v21, $0x8000  }
0x52: {  	s30 =	simm.s32 $0xC0;
	v17 =	vadd.s32 v8, v17;
	v23 =	vadd.s32 v14, v12;
	v8 =	vmpcnt.ones.xlane vm5;
	v15, _, _ =	vpop (xrf0)  }
0x53: {  	vm8 =	vmand vm7, vm8;
	vm7 =	vlt.s32 v17, $0x8000;
	v12 =	vadd.s32 v9, v6;
	v9 =	vld [tilespmem:s30+$0xFFFFFFF0];
	v22, _, _ =	vpop (xrf0)  }
0x54: {  	v19 =	vadd.s32 v23, v19;
	vm7 =	vmand vm4, vm7;
	vm4 =	vlt.s32 v12, $0x8000;
	v26, _, _ =	vpop (xrf0)  }
0x55: {  	v27 =	vadd.s32 v19, v8;
	v8 =	vld [tilespmem:s30+$0xFFFFFFE0];
	vm2 =	vmand vm2, vm4;
	v18 =	vadd.s32 v18, v22;
	v6, _, _ =	vpop (xrf0)  }
0x56: {  	v14 =	vadd.s32 v14, v26;
	v26 =	vor.u32 s26, v0;
	v34 =	vadd.s32 v23, v6;
	v6, _, _ =	vpop (xrf0)  }
0x57: {  	vm4 =	vlt.s32 v34, $0x8000;
	v28 =	vadd.s32 v19, v6;
	v19 =	vadd.s32 v11, v15  }
0x58: {  	s2 =	sadd.s32 $0xFFFFFF90, s26;
	v11 =	vld [tilespmem:s30+$0x0];
	v30 =	vshra.s32 v9, $0x10;
	vm12 =	vmand vm6, vm4;
	vm4 =	vlt.s32 v28, $0x8000  }
0x59: {  	s3 =	sadd.s32 $0xFFFFFFA0, s26;
	v15 =	vld [tilespmem:s30+$0xFFFFFFC0];
	[tilespmem:v21+s18+$0x0] =	vst.idx.msk vm8, v13;
	v13 =	vor.u32 s2, v0;
	vm6 =	vlt.s32 v18, $0x8000;
	vm4 =	vmand vm5, vm4  }
0x5a: {  	s2 =	sadd.s32 $0xFFFFFFB0, s26;
	v29 =	vshra.s32 v8, $0x10;
	vm5 =	vlt.s32 v19, $0x8000;
	[tilespmem:v21+s19+$0x0] =	vst.idx.msk vm8, v13;
	v13 =	vld [tilespmem:s30+$0xFFFFFFD0];
	v21 =	vor.u32 s3, v0  }
0x5b: {  	[tilespmem:v17+s18+$0x0] =	vst.idx.msk vm7, v16;
	vm1 =	vmand vm1, vm6;
	v23 =	vor.u32 s2, v0;
	s3 =	sadd.s32 $0xFFFFFFC0, s26;
	vm6 =	veq.s32 v30, v4  }
0x5c: {  	s28 =	sadd.s32 $0xFFFFFFD0, s26;
	v6 =	vld [tilespmem:s30+$0x10];
	s2 =	sadd.s32 $0xFFFFFFE0, s26;
	vm3 =	vmand vm3, vm5;
	vm5 =	vlt.s32 v14, $0x8000;
	[tilespmem:v17+s19+$0x0] =	vst.idx.msk vm7, v21;
	v22 =	vor.u32 s3, v0  }
0x5d: {  	v16 =	vld [tilespmem:s30+$0x20];
	[tilespmem:v12+s18+$0x0] =	vst.idx.msk vm2, v20;
	v21 =	vor.u32 s28, v0;
	v20 =	vor.u32 s2, v0;
	vm7 =	veq.s32 v29, v4  }
0x5e: {  	vm0 =	vmand vm0, vm5;
	v29 =	vmpcnt.ones.xlane vm7;
	[tilespmem:v34+s18+$0x0] =	vst.idx.msk vm12, v24;
	v24 =	vshra.s32 v15, $0x10  }
0x5f: {  	v32 =	vshra.s32 v11, $0x10;
	[tilespmem:v28+s18+$0x0] =	vst.idx.msk vm4, v25;
	vm9 =	veq.s32 v24, v4;
	v24 =	vshra.s32 v13, $0x10  }
0x60: {  	v17 =	vld [tilespmem:s30+$0x30];
	[tilespmem:v28+s19+$0x0] =	vst.idx.msk vm4, v26;
	v26 =	vmpcnt.ones.xlane vm9;
	vm8 =	veq.s32 v24, v4;
	(xrf0) =	vadd.scan.msk.s32 vm9, v3  }
0x61: {  	vm5 =	veq.s32 v32, v4;
	v25 =	vshra.s32 v6, $0x10;
	v28 =	vmpcnt.ones.xlane vm8;
	(xrf0) =	vadd.scan.msk.s32 vm8, v3  }
0x62: {  	v24 =	vshra.s32 v16, $0x10;
	vm4 =	veq.s32 v25, v4;
	v26 =	vadd.s32 v27, v26;
	(xrf0) =	vadd.scan.msk.s32 vm7, v3  }
0x63: {  	s28 =	sadd.s32 $0xFFFFFFF0, s26;
	v25 =	vmpcnt.ones.xlane vm4;
	v31 =	vadd.s32 v26, v28;
	v28 =	vmpcnt.ones.xlane vm6;
	(xrf0) =	vadd.scan.msk.s32 vm6, v3  }
0x64: {  	v35 =	vor.u32 s28, v0;
	v32 =	vmpcnt.ones.xlane vm5;
	v30 =	vadd.s32 v31, v29;
	(xrf0) =	vadd.scan.msk.s32 vm5, v3  }
0x65: {  	v33 =	vshra.s32 v17, $0x10;
	vm11 =	veq.s32 v24, v4;
	v29 =	vadd.s32 v30, v28;
	(xrf0) =	vadd.scan.msk.s32 vm4, v3  }
0x66: {  	s3 =	sshll.u32 s24, $0x1;
	vm10 =	veq.s32 v33, v4;
	v36 =	vmpcnt.ones.xlane vm11;
	v28 =	vadd.s32 v29, v32;
	v24, _, _ =	vpop (xrf0);
	(xrf0) =	vadd.scan.msk.s32 vm11, v3  }
0x67: {  	s29 =	sadd.s32 s5, s3;
	v27 =	vadd.s32 v27, v24;
	v32 =	vadd.s32 v28, v25;
	v24 =	vmpcnt.ones.xlane vm10;
	v25, _, _ =	vpop (xrf0);
	(xrf0) =	vadd.scan.msk.s32 vm10, v3  }
0x68: {  	s31 =	smov.u32 s26;
	s0 =	simm.s32 $0x8;
	s28 =	smul.u32 $0x2710, s29;
	[tilespmem:v34+s19+$0x0] =	vst.idx.msk vm12, v35;
	vm13 =	vlt.s32 v27, $0x8000;
	v26 =	vadd.s32 v26, v25;
	v25 =	vadd.s32 v32, v36;
	v33, _, _ =	vpop (xrf0)  }
.LBB2_5:
0x69: {  	s0 =	sadd.s32 $0x8, s0;
	vm12 =	vlt.s32 v26, $0x8000;
	v24 =	vadd.s32 v25, v24;
	v34, _, _ =	vpop (xrf0);
	[tilespmem:v12+s19+$0x0] =	vst.idx.msk vm2, v23;
	v12 =	vadd.s32 v31, v33  }
0x6a: {  	vm9 =	vmand vm9, vm13;
	p3 =	slt.u32 s0, $0x268;
	vm2 =	vlt.s32 v12, $0x8000;
	v23 =	vadd.s32 v30, v34;
	v30, _, _ =	vpop (xrf0);
	[tilespmem:v19+s18+$0x0] =	vst.idx.msk vm3, v10  }
0x6b: {  	vm8 =	vmand vm8, vm12;
	vm12 =	vlt.s32 v23, $0x8000;
	v10 =	vadd.s32 v29, v30;
	v29, _, _ =	vpop (xrf0);
	[tilespmem:v19+s19+$0x0] =	vst.idx.msk vm3, v22  }
0x6c: {  	s30 =	sadd.s32 $0x80, s30;
	vm2 =	vmand vm7, vm2;
	vm7 =	vlt.s32 v10, $0x8000;
	v22 =	vadd.s32 v28, v29;
	v19, _, _ =	vpop (xrf0);
	[tilespmem:v18+s18+$0x0] =	vst.idx.msk vm1, v7  }
0x6d: {  	vm3 =	vmand vm6, vm12;
	v28 =	vld [tilespmem:s30+$0xFFFFFFE0];
	vm6 =	vlt.s32 v22, $0x8000;
	v34 =	vadd.s32 v32, v19;
	v7, _, _ =	vpop (xrf0);
	[tilespmem:v18+s19+$0x0] =	vst.idx.msk vm1, v21  }
0x6e: {  	s31 =	sadd.s32 $0x80, s31;
	vm1 =	vmand vm5, vm7;
	v19 =	vmovc v23;
	v21 =	vld [tilespmem:s30+$0xFFFFFFF0];
	vm5 =	vlt.s32 v34, $0x8000;
	v25 =	vadd.s32 v25, v7;
	[tilespmem:v14+s18+$0x0] =	vst.idx.msk vm0, v5  }
0x6f: {  	s2 =	sadd.s32 $0xFFFFFF90, s31;
	v18 =	vmovc v10;
	v29 =	vld [tilespmem:s30+$0x0];
	vm12 =	vmand vm11, vm5;
	vm5 =	vlt.s32 v25, $0x8000;
	[tilespmem:v14+s19+$0x0] =	vst.idx.msk vm0, v20;
	vm0 =	vmand vm4, vm6;
	v14 =	vmovc v22  }
0x70: {  	v10 =	vmovc v9;
	v7 =	vmovc v11;
	v5 =	vmov v6;
	v20 =	vor.u32 s2, v0;
	[tilespmem:v27+s18+$0x0] =	vst.idx.msk vm9, v15;
	vm4 =	vmand vm10, vm5;
	v6 =	vld [tilespmem:s30+$0x10]  }
0x71: {  	s2 =	sadd.s32 $0xFFFFFFA0, s31;
	v15 =	vld [tilespmem:s30+$0xFFFFFFC0];
	[tilespmem:v27+s19+$0x0] =	vst.idx.msk vm9, v20  }
0x72: {  	v20 =	vor.u32 s2, v0;
	s2 =	sadd.s32 $0xFFFFFFB0, s31;
	[tilespmem:v26+s18+$0x0] =	vst.idx.msk vm8, v13;
	v13 =	vld [tilespmem:s30+$0xFFFFFFD0]  }
0x73: {  	s3 =	sadd.s32 $0xFFFFFFD0, s31;
	v23 =	vor.u32 s2, v0;
	s2 =	sadd.s32 $0xFFFFFFC0, s31;
	v27 =	vld [tilespmem:s30+$0x20];
	[tilespmem:v26+s19+$0x0] =	vst.idx.msk vm8, v20;
	v26 =	vor.u32 s31, v0;
	v9 =	vmov v21  }
0x74: {  	v22 =	vor.u32 s2, v0;
	v21 =	vor.u32 s3, v0;
	s2 =	sadd.s32 $0xFFFFFFE0, s31;
	s3 =	sadd.s32 $0xFFFFFFF0, s31;
	v30 =	vld [tilespmem:s30+$0x30];
	[tilespmem:v12+s18+$0x0] =	vst.idx.msk vm2, v8;
	v8 =	vmovc v28;
	v11 =	vmov v29  }
0x75: {  	v20 =	vor.u32 s2, v0;
	v35 =	vor.u32 s3, v0;
	v28 =	vshra.s32 v8, $0x10;
	[tilespmem:v34+s18+$0x0] =	vst.idx.msk vm12, v16  }
0x76: {  	v29 =	vshra.s32 v9, $0x10;
	v32 =	vshra.s32 v11, $0x10;
	v31 =	vshra.s32 v15, $0x10;
	[tilespmem:v25+s18+$0x0] =	vst.idx.msk vm4, v17  }
0x77: {  	v33 =	vshra.s32 v6, $0x10;
	vm9 =	veq.s32 v31, v4;
	v31 =	vshra.s32 v13, $0x10;
	[tilespmem:v25+s19+$0x0] =	vst.idx.msk vm4, v26  }
0x78: {  	v25 =	vmpcnt.ones.xlane vm9;
	vm8 =	veq.s32 v31, v4;
	v26 =	vshra.s32 v27, $0x10;
	(xrf0) =	vadd.scan.msk.s32 vm9, v3;
	v16 =	vmovc v27  }
0x79: {  	vm7 =	veq.s32 v28, v4;
	v27 =	vmpcnt.ones.xlane vm8;
	v36 =	vshra.s32 v30, $0x10;
	(xrf0) =	vadd.scan.msk.s32 vm8, v3;
	v17 =	vmovc v30  }
0x7a: {  	vm6 =	veq.s32 v29, v4;
	v28 =	vmpcnt.ones.xlane vm7;
	v25 =	vadd.s32 v24, v25;
	(xrf0) =	vadd.scan.msk.s32 vm7, v3  }
0x7b: {  	vm5 =	veq.s32 v32, v4;
	v31 =	vadd.s32 v25, v27;
	v27 =	vmpcnt.ones.xlane vm6;
	(xrf0) =	vadd.scan.msk.s32 vm6, v3  }
.Ltmp3:
0x7c: {  	vm4 =	veq.s32 v33, v4;
	v30 =	vadd.s32 v31, v28;
	v28 =	vmpcnt.ones.xlane vm5;
	(xrf0) =	vadd.scan.msk.s32 vm5, v3;
	(pc) =	sbr.rel @p3 .LBB2_5-.Ltmp3, $4  }
0x7d: {  	v32 =	vmpcnt.ones.xlane vm4;
	vm11 =	veq.s32 v26, v4;
	v29 =	vadd.s32 v30, v27;
	(xrf0) =	vadd.scan.msk.s32 vm4, v3  }
0x7e: {  	v37 =	vmpcnt.ones.xlane vm11;
	vm10 =	veq.s32 v36, v4;
	v28 =	vadd.s32 v29, v28;
	v26, _, _ =	vpop (xrf0);
	(xrf0) =	vadd.scan.msk.s32 vm11, v3  }
0x7f: {  	v27 =	vadd.s32 v24, v26;
	v32 =	vadd.s32 v28, v32;
	v24 =	vmpcnt.ones.xlane vm10;
	v26, _, _ =	vpop (xrf0);
	(xrf0) =	vadd.scan.msk.s32 vm10, v3  }
0x80: {  	vm13 =	vlt.s32 v27, $0x8000;
	v26 =	vadd.s32 v25, v26;
	v25 =	vadd.s32 v32, v37;
	v33, _, _ =	vpop (xrf0);
	[tilespmem:v34+s19+$0x0] =	vst.idx.msk vm12, v35  }
0x81: {  	_ =	sdelay $0x4  }
0x82: {  	v34, _, _ =	vpop (xrf0);
	[tilespmem:v12+s19+$0x0] =	vst.idx.msk vm2, v23  }
0x83: {  	vm2 =	vmand vm9, vm13;
	[tilespmem:v19+s18+$0x0] =	vst.idx.msk vm3, v10;
	v12, _, _ =	vpop (xrf0)  }
0x84: {  	vm9 =	vlt.s32 v26, $0x8000;
	[tilespmem:v18+s18+$0x0] =	vst.idx.msk vm1, v7;
	v10, _, _ =	vpop (xrf0)  }
0x85: {  	[tilespmem:v19+s19+$0x0] =	vst.idx.msk vm3, v22;
	v19 =	vadd.s32 v31, v33;
	vm3 =	vmand vm8, vm9;
	v22, _, _ =	vpop (xrf0)  }
0x86: {  	[tilespmem:v14+s18+$0x0] =	vst.idx.msk vm0, v5;
	vm8 =	vlt.s32 v19, $0x8000;
	v7 =	vadd.s32 v32, v22;
	v22, _, _ =	vpop (xrf0)  }
0x87: {  	s0 =	sadd.s32 $0x80, s31;
	[tilespmem:v18+s19+$0x0] =	vst.idx.msk vm1, v21;
	vm1 =	vmand vm7, vm8;
	vm7 =	vlt.s32 v7, $0x8000;
	v18 =	vadd.s32 v25, v22  }
0x88: {  	s2 =	sadd.s32 $0xFFFFFF90, s0;
	[tilespmem:v14+s19+$0x0] =	vst.idx.msk vm0, v20;
	vm7 =	vmand vm11, vm7;
	vm8 =	vlt.s32 v18, $0x8000  }
0x89: {  	v5 =	vor.u32 s2, v0;
	[tilespmem:v27+s18+$0x0] =	vst.idx.msk vm2, v15;
	vm0 =	vmand vm10, vm8  }
0x8a: {  	s3 =	sadd.s32 $0xFFFFFFA0, s0;
	[tilespmem:v27+s19+$0x0] =	vst.idx.msk vm2, v5  }
0x8b: {  	v5 =	vadd.s32 v30, v34;
	[tilespmem:v26+s18+$0x0] =	vst.idx.msk vm3, v13;
	v13 =	vor.u32 s3, v0  }
0x8c: {  	v12 =	vadd.s32 v29, v12;
	vm2 =	vlt.s32 v5, $0x8000;
	[tilespmem:v26+s19+$0x0] =	vst.idx.msk vm3, v13  }
0x8d: {  	vm3 =	vlt.s32 v12, $0x8000;
	vm2 =	vmand vm6, vm2;
	[tilespmem:v19+s18+$0x0] =	vst.idx.msk vm1, v8  }
0x8e: {  	s2 =	sadd.s32 $0xFFFFFFF0, s0;
	vm3 =	vmand vm5, vm3;
	[tilespmem:v7+s18+$0x0] =	vst.idx.msk vm7, v16  }
0x8f: {  	v13 =	vor.u32 s2, v0;
	v8 =	vadd.s32 v28, v10;
	[tilespmem:v18+s18+$0x0] =	vst.idx.msk vm0, v17  }
0x90: {  	s3 =	sadd.s32 $0xFFFFFFB0, s0;
	v10 =	vor.u32 s0, v0;
	vm5 =	vlt.s32 v8, $0x8000;
	[tilespmem:v7+s19+$0x0] =	vst.idx.msk vm7, v13  }
0x91: {  	[tilespmem:v18+s19+$0x0] =	vst.idx.msk vm0, v10;
	vm0 =	vmand vm4, vm5;
	v10 =	vor.u32 s3, v0  }
0x92: {  	[tilespmem:v19+s19+$0x0] =	vst.idx.msk vm1, v10  }
0x93: {  	s3 =	sadd.s32 $0xFFFFFFC0, s0;
	[tilespmem:v5+s18+$0x0] =	vst.idx.msk vm2, v9  }
0x94: {  	v7 =	vor.u32 s3, v0;
	s3 =	sadd.s32 $0xFFFFFFD0, s0;
	[tilespmem:v12+s18+$0x0] =	vst.idx.msk vm3, v11  }
0x95: {  	[tilespmem:v5+s19+$0x0] =	vst.idx.msk vm2, v7;
	v5 =	vor.u32 s3, v0  }
0x96: {  	s0 =	sadd.s32 $0xFFFFFFE0, s0;
	[tilespmem:v12+s19+$0x0] =	vst.idx.msk vm3, v5  }
0x97: {  	v5 =	vor.u32 s0, v0;
	[tilespmem:v8+s18+$0x0] =	vst.idx.msk vm0, v6  }
0x98: {  	[tilespmem:v8+s19+$0x0] =	vst.idx.msk vm0, v5  }
0x99: {  	v5 =	vld [tilespmem:$0x2700];
	_ =	sdelay $0x4  }
0x9a: {  	v6 =	vshra.s32 v5, $0x10  }
0x9b: {  	vm0 =	veq.s32 v6, v4  }
0x9c: {  	(xrf0) =	vadd.scan.msk.s32 vm0, v3;
	_ =	sdelay $0x5  }
0x9d: {  	v6 =	vadd.s32 v25, v24;
	v7, _, _ =	vpop (xrf0)  }
0x9e: {  	v7 =	vadd.s32 v6, v7  }
0x9f: {  	vm1 =	vlt.s32 v7, $0x8000  }
0xa0: {  	s0 =	sadd.s32 $0x2, s29;
	vm1 =	vmand vm0, vm1  }
0xa1: {  	p3 =	sge.u32 s0, s6  }
0xa2: {  	s2 =	sshrl.u32 @!p3 s0, $0x3  }
0xa3: {  	s0 =	sshll.u32 @!p3 s0, $0x7;
	s2 =	smul.u32 @!p3 $0x13C00, s2  }
0xa4: {  	s0 =	sand.u32 @!p3 $0x380, s0  }
0xa5: {  	s3 =	sadd.s32 $0x2700, s28;
	s0 =	sor.u32 @!p3 s0, s2  }
0xa6: {  	s30 =	simm.s32 @!p3 $0x0;
	s0 =	sshrl.u32 @!p3 s0, $0x3;
	[tilespmem:v7+s18+$0x0] =	vst.idx.msk vm1, v5;
	v5 =	vor.u32 s3, v0  }
0xa7: {  	s2 =	simm.s32 @!p3 $0x80;
	s0 =	sadd.s32 @!p3 s1, s0;
	s3 =	simm.s32 @!p3 $0x400;
	[tilespmem:v7+s19+$0x0] =	vst.idx.msk vm1, v5  }
0xa8: {  	[tilespmem:s30], [sflag:$0x1] =	stream.strided.gather @!p3 [hbm4b:s0+s2], $0x2780, s3, s2, $0x38;
	[tilespmem:$0x14F80] =	vst v63  }
0xa9: {  	_ =	swait.ge [sflag:s20], $0x2780  }
0xaa: {  	[sflag:s20] =	ssyncset.done $0x0  }
0xab: {  	s2 =	simm.s32 $0x27C0;
	[sflag:s20] =	ssyncadd.s32 $0xFFFFD880  }
0xac: {  	v20 =	vld [tilespmem:s2+$0xFFFFFFE0]  }
0xad: {  	v13 =	vld [tilespmem:s2+$0xFFFFFFC0]  }
0xae: {  	v16 =	vld [tilespmem:s2+$0xFFFFFFD0]  }
0xaf: {  	v10 =	vld [tilespmem:s2+$0xFFFFFFF0]  }
0xb0: {  	v7 =	vld [tilespmem:s2+$0x0]  }
0xb1: {  	v24 =	vld [tilespmem:s2+$0x20]  }
0xb2: {  	v9 =	vmpcnt.ones.xlane vm0;
	v25 =	vld [tilespmem:s2+$0x30]  }
0xb3: {  	v5 =	vld [tilespmem:s2+$0x10]  }
0xb4: {  	v6 =	vadd.s32 v6, v9;
	v8 =	vshra.s32 v13, $0x10  }
0xb5: {  	v11 =	vshra.s32 v20, $0x10;
	vm6 =	veq.s32 v8, v4;
	v8 =	vshra.s32 v16, $0x10  }
0xb6: {  	v9 =	vshra.s32 v7, $0x10;
	v12 =	vshra.s32 v24, $0x10;
	vm4 =	veq.s32 v8, v4;
	(xrf0) =	vadd.scan.msk.s32 vm6, v3  }
0xb7: {  	v14 =	vshra.s32 v25, $0x10;
	vm2 =	veq.s32 v11, v4;
	v8 =	vshra.s32 v10, $0x10;
	(xrf0) =	vadd.scan.msk.s32 vm4, v3  }
0xb8: {  	v11 =	vshra.s32 v5, $0x10;
	vm3 =	veq.s32 v8, v4;
	v8 =	vmpcnt.ones.xlane vm6;
	(xrf0) =	vadd.scan.msk.s32 vm2, v3  }
0xb9: {  	vm1 =	veq.s32 v9, v4;
	vm7 =	veq.s32 v12, v4;
	v9 =	vmpcnt.ones.xlane vm4;
	(xrf0) =	vadd.scan.msk.s32 vm3, v3  }
0xba: {  	vm0 =	veq.s32 v11, v4;
	v11 =	vmpcnt.ones.xlane vm2;
	v8 =	vadd.s32 v6, v8;
	(xrf0) =	vadd.scan.msk.s32 vm1, v3  }
0xbb: {  	v15 =	vmpcnt.ones.xlane vm1;
	v12 =	vmpcnt.ones.xlane vm3;
	v9 =	vadd.s32 v8, v9;
	(xrf0) =	vadd.scan.msk.s32 vm0, v3  }
0xbc: {  	vm5 =	veq.s32 v14, v4;
	v11 =	vadd.s32 v9, v11;
	v14, _, _ =	vpop (xrf0);
	(xrf0) =	vadd.scan.msk.s32 vm7, v3  }
0xbd: {  	v18 =	vadd.s32 v11, v12;
	v12 =	vmpcnt.ones.xlane vm0;
	v17, _, _ =	vpop (xrf0);
	(xrf0) =	vadd.scan.msk.s32 vm5, v3;
	v21 =	vadd.s32 v6, v14  }
0xbe: {  	v19 =	vmpcnt.ones.xlane vm7;
	v14 =	vadd.s32 v18, v15;
	v6, _, _ =	vpop (xrf0);
	vm8 =	vlt.s32 v21, $0x8000  }
0xbf: {  	s30 =	simm.s32 $0x2840;
	v17 =	vadd.s32 v8, v17;
	v23 =	vadd.s32 v14, v12;
	v8 =	vmpcnt.ones.xlane vm5;
	v15, _, _ =	vpop (xrf0)  }
0xc0: {  	vm8 =	vmand vm6, vm8;
	vm6 =	vlt.s32 v17, $0x8000;
	v12 =	vadd.s32 v9, v6;
	v9 =	vld [tilespmem:s30+$0xFFFFFFF0];
	v22, _, _ =	vpop (xrf0)  }
0xc1: {  	v19 =	vadd.s32 v23, v19;
	vm6 =	vmand vm4, vm6;
	vm4 =	vlt.s32 v12, $0x8000;
	v26, _, _ =	vpop (xrf0)  }
0xc2: {  	v27 =	vadd.s32 v19, v8;
	v8 =	vld [tilespmem:s30+$0xFFFFFFE0];
	vm2 =	vmand vm2, vm4;
	v18 =	vadd.s32 v18, v22;
	v6, _, _ =	vpop (xrf0)  }
0xc3: {  	v14 =	vadd.s32 v14, v26;
	v26 =	vor.u32 s25, v0;
	v61 =	vadd.s32 v23, v6;
	v6, _, _ =	vpop (xrf0)  }
0xc4: {  	vm4 =	vlt.s32 v61, $0x8000;
	v28 =	vadd.s32 v19, v6;
	v19 =	vadd.s32 v11, v15  }
0xc5: {  	s3 =	sadd.s32 $0xFFFFFF90, s25;
	v11 =	vld [tilespmem:s30+$0x0];
	v30 =	vshra.s32 v9, $0x10;
	vm12 =	vmand vm7, vm4;
	vm4 =	vlt.s32 v28, $0x8000  }
0xc6: {  	s2 =	sadd.s32 $0xFFFFFFA0, s25;
	v15 =	vld [tilespmem:s30+$0xFFFFFFC0];
	[tilespmem:v21+s18+$0x0] =	vst.idx.msk vm8, v13;
	v13 =	vor.u32 s3, v0;
	vm7 =	vlt.s32 v18, $0x8000;
	vm4 =	vmand vm5, vm4  }
0xc7: {  	s3 =	sadd.s32 $0xFFFFFFB0, s25;
	v29 =	vshra.s32 v8, $0x10;
	vm5 =	vlt.s32 v19, $0x8000;
	[tilespmem:v21+s19+$0x0] =	vst.idx.msk vm8, v13;
	v13 =	vld [tilespmem:s30+$0xFFFFFFD0];
	v21 =	vor.u32 s2, v0  }
0xc8: {  	[tilespmem:v17+s18+$0x0] =	vst.idx.msk vm6, v16;
	vm1 =	vmand vm1, vm7;
	v23 =	vor.u32 s3, v0;
	s2 =	sadd.s32 $0xFFFFFFC0, s25;
	vm7 =	veq.s32 v29, v4  }
0xc9: {  	v6 =	vld [tilespmem:s30+$0x10];
	s3 =	sadd.s32 $0xFFFFFFD0, s25;
	vm3 =	vmand vm3, vm5;
	vm5 =	vlt.s32 v14, $0x8000;
	[tilespmem:v17+s19+$0x0] =	vst.idx.msk vm6, v21;
	v22 =	vor.u32 s2, v0  }
0xca: {  	v16 =	vld [tilespmem:s30+$0x20];
	[tilespmem:v12+s18+$0x0] =	vst.idx.msk vm2, v20;
	v21 =	vor.u32 s3, v0;
	s2 =	sadd.s32 $0xFFFFFFE0, s25;
	v29 =	vmpcnt.ones.xlane vm7;
	vm6 =	veq.s32 v30, v4  }
0xcb: {  	vm0 =	vmand vm0, vm5;
	v20 =	vor.u32 s2, v0;
	[tilespmem:v61+s18+$0x0] =	vst.idx.msk vm12, v24;
	v24 =	vshra.s32 v15, $0x10  }
0xcc: {  	v62 =	vshra.s32 v11, $0x10;
	[tilespmem:v28+s18+$0x0] =	vst.idx.msk vm4, v25;
	vm10 =	veq.s32 v24, v4;
	v24 =	vshra.s32 v13, $0x10  }
0xcd: {  	v17 =	vld [tilespmem:s30+$0x30];
	[tilespmem:v28+s19+$0x0] =	vst.idx.msk vm4, v26;
	v26 =	vmpcnt.ones.xlane vm10;
	vm8 =	veq.s32 v24, v4;
	(xrf0) =	vadd.scan.msk.s32 vm10, v3  }
0xce: {  	vm5 =	veq.s32 v62, v4;
	v25 =	vshra.s32 v6, $0x10;
	v28 =	vmpcnt.ones.xlane vm8;
	(xrf0) =	vadd.scan.msk.s32 vm8, v3  }
0xcf: {  	v24 =	vshra.s32 v16, $0x10;
	vm4 =	veq.s32 v25, v4;
	v26 =	vadd.s32 v27, v26;
	(xrf0) =	vadd.scan.msk.s32 vm7, v3  }
0xd0: {  	s3 =	sadd.s32 $0xFFFFFFF0, s25;
	v25 =	vmpcnt.ones.xlane vm4;
	v31 =	vadd.s32 v26, v28;
	v28 =	vmpcnt.ones.xlane vm6;
	(xrf0) =	vadd.scan.msk.s32 vm6, v3  }
0xd1: {  	v35 =	vor.u32 s3, v0;
	v32 =	vmpcnt.ones.xlane vm5;
	v30 =	vadd.s32 v31, v29;
	(xrf0) =	vadd.scan.msk.s32 vm5, v3  }
0xd2: {  	v63 =	vshra.s32 v17, $0x10;
	vm11 =	veq.s32 v24, v4;
	v29 =	vadd.s32 v30, v28;
	(xrf0) =	vadd.scan.msk.s32 vm4, v3  }
0xd3: {  	vm9 =	veq.s32 v63, v4;
	v36 =	vmpcnt.ones.xlane vm11;
	v28 =	vadd.s32 v29, v32;
	v24, _, _ =	vpop (xrf0);
	(xrf0) =	vadd.scan.msk.s32 vm11, v3  }
0xd4: {  	v27 =	vadd.s32 v27, v24;
	v32 =	vadd.s32 v28, v25;
	v24 =	vmpcnt.ones.xlane vm9;
	v25, _, _ =	vpop (xrf0);
	(xrf0) =	vadd.scan.msk.s32 vm9, v3  }
0xd5: {  	s31 =	smov.u32 s25;
	s0 =	simm.s32 $0x8;
	[tilespmem:v61+s19+$0x0] =	vst.idx.msk vm12, v35;
	vm13 =	vlt.s32 v27, $0x8000;
	v26 =	vadd.s32 v26, v25;
	v25 =	vadd.s32 v32, v36;
	v33, _, _ =	vpop (xrf0)  }
.LBB2_7:
0xd6: {  	s0 =	sadd.s32 $0x8, s0;
	vm12 =	vlt.s32 v26, $0x8000;
	v24 =	vadd.s32 v25, v24;
	v34, _, _ =	vpop (xrf0);
	[tilespmem:v12+s19+$0x0] =	vst.idx.msk vm2, v23;
	v12 =	vadd.s32 v31, v33  }
0xd7: {  	vm10 =	vmand vm10, vm13;
	p3 =	slt.u32 s0, $0x268;
	vm2 =	vlt.s32 v12, $0x8000;
	v23 =	vadd.s32 v30, v34;
	v30, _, _ =	vpop (xrf0);
	[tilespmem:v19+s18+$0x0] =	vst.idx.msk vm3, v10  }
0xd8: {  	vm8 =	vmand vm8, vm12;
	vm12 =	vlt.s32 v23, $0x8000;
	v10 =	vadd.s32 v29, v30;
	v29, _, _ =	vpop (xrf0);
	[tilespmem:v19+s19+$0x0] =	vst.idx.msk vm3, v22  }
0xd9: {  	s30 =	sadd.s32 $0x80, s30;
	vm2 =	vmand vm7, vm2;
	vm7 =	vlt.s32 v10, $0x8000;
	v22 =	vadd.s32 v28, v29;
	v19, _, _ =	vpop (xrf0);
	[tilespmem:v18+s18+$0x0] =	vst.idx.msk vm1, v7  }
0xda: {  	vm3 =	vmand vm6, vm12;
	v28 =	vld [tilespmem:s30+$0xFFFFFFE0];
	vm6 =	vlt.s32 v22, $0x8000;
	v34 =	vadd.s32 v32, v19;
	v7, _, _ =	vpop (xrf0);
	[tilespmem:v18+s19+$0x0] =	vst.idx.msk vm1, v21  }
0xdb: {  	s31 =	sadd.s32 $0x80, s31;
	vm1 =	vmand vm5, vm7;
	v19 =	vmovc v23;
	v21 =	vld [tilespmem:s30+$0xFFFFFFF0];
	vm5 =	vlt.s32 v34, $0x8000;
	v25 =	vadd.s32 v25, v7;
	[tilespmem:v14+s18+$0x0] =	vst.idx.msk vm0, v5  }
0xdc: {  	s2 =	sadd.s32 $0xFFFFFF90, s31;
	v18 =	vmovc v10;
	v29 =	vld [tilespmem:s30+$0x0];
	vm12 =	vmand vm11, vm5;
	vm5 =	vlt.s32 v25, $0x8000;
	[tilespmem:v14+s19+$0x0] =	vst.idx.msk vm0, v20;
	vm0 =	vmand vm4, vm6;
	v14 =	vmovc v22  }
0xdd: {  	v10 =	vmovc v9;
	v7 =	vmovc v11;
	v5 =	vmov v6;
	v20 =	vor.u32 s2, v0;
	[tilespmem:v27+s18+$0x0] =	vst.idx.msk vm10, v15;
	vm4 =	vmand vm9, vm5;
	v6 =	vld [tilespmem:s30+$0x10]  }
0xde: {  	s2 =	sadd.s32 $0xFFFFFFA0, s31;
	v15 =	vld [tilespmem:s30+$0xFFFFFFC0];
	[tilespmem:v27+s19+$0x0] =	vst.idx.msk vm10, v20  }
0xdf: {  	v20 =	vor.u32 s2, v0;
	s2 =	sadd.s32 $0xFFFFFFB0, s31;
	[tilespmem:v26+s18+$0x0] =	vst.idx.msk vm8, v13;
	v13 =	vld [tilespmem:s30+$0xFFFFFFD0]  }
0xe0: {  	s3 =	sadd.s32 $0xFFFFFFD0, s31;
	v23 =	vor.u32 s2, v0;
	s2 =	sadd.s32 $0xFFFFFFC0, s31;
	v27 =	vld [tilespmem:s30+$0x20];
	[tilespmem:v26+s19+$0x0] =	vst.idx.msk vm8, v20;
	v26 =	vor.u32 s31, v0;
	v9 =	vmov v21  }
0xe1: {  	v22 =	vor.u32 s2, v0;
	v21 =	vor.u32 s3, v0;
	s2 =	sadd.s32 $0xFFFFFFE0, s31;
	s3 =	sadd.s32 $0xFFFFFFF0, s31;
	v30 =	vld [tilespmem:s30+$0x30];
	[tilespmem:v12+s18+$0x0] =	vst.idx.msk vm2, v8;
	v8 =	vmovc v28;
	v11 =	vmov v29  }
0xe2: {  	v20 =	vor.u32 s2, v0;
	v35 =	vor.u32 s3, v0;
	v28 =	vshra.s32 v8, $0x10;
	[tilespmem:v34+s18+$0x0] =	vst.idx.msk vm12, v16  }
0xe3: {  	v29 =	vshra.s32 v9, $0x10;
	v32 =	vshra.s32 v11, $0x10;
	v31 =	vshra.s32 v15, $0x10;
	[tilespmem:v25+s18+$0x0] =	vst.idx.msk vm4, v17  }
0xe4: {  	v33 =	vshra.s32 v6, $0x10;
	vm10 =	veq.s32 v31, v4;
	v31 =	vshra.s32 v13, $0x10;
	[tilespmem:v25+s19+$0x0] =	vst.idx.msk vm4, v26  }
0xe5: {  	v25 =	vmpcnt.ones.xlane vm10;
	vm8 =	veq.s32 v31, v4;
	v26 =	vshra.s32 v27, $0x10;
	(xrf0) =	vadd.scan.msk.s32 vm10, v3;
	v16 =	vmovc v27  }
0xe6: {  	vm7 =	veq.s32 v28, v4;
	v27 =	vmpcnt.ones.xlane vm8;
	v36 =	vshra.s32 v30, $0x10;
	(xrf0) =	vadd.scan.msk.s32 vm8, v3;
	v17 =	vmovc v30  }
0xe7: {  	vm6 =	veq.s32 v29, v4;
	v28 =	vmpcnt.ones.xlane vm7;
	v25 =	vadd.s32 v24, v25;
	(xrf0) =	vadd.scan.msk.s32 vm7, v3  }
0xe8: {  	vm5 =	veq.s32 v32, v4;
	v31 =	vadd.s32 v25, v27;
	v27 =	vmpcnt.ones.xlane vm6;
	(xrf0) =	vadd.scan.msk.s32 vm6, v3  }
.Ltmp4:
0xe9: {  	vm4 =	veq.s32 v33, v4;
	v30 =	vadd.s32 v31, v28;
	v28 =	vmpcnt.ones.xlane vm5;
	(xrf0) =	vadd.scan.msk.s32 vm5, v3;
	(pc) =	sbr.rel @p3 .LBB2_7-.Ltmp4, $4  }
0xea: {  	v32 =	vmpcnt.ones.xlane vm4;
	vm11 =	veq.s32 v26, v4;
	v29 =	vadd.s32 v30, v27;
	(xrf0) =	vadd.scan.msk.s32 vm4, v3  }
0xeb: {  	v37 =	vmpcnt.ones.xlane vm11;
	vm9 =	veq.s32 v36, v4;
	v28 =	vadd.s32 v29, v28;
	v26, _, _ =	vpop (xrf0);
	(xrf0) =	vadd.scan.msk.s32 vm11, v3  }
0xec: {  	v27 =	vadd.s32 v24, v26;
	v32 =	vadd.s32 v28, v32;
	v24 =	vmpcnt.ones.xlane vm9;
	v26, _, _ =	vpop (xrf0);
	(xrf0) =	vadd.scan.msk.s32 vm9, v3  }
0xed: {  	vm13 =	vlt.s32 v27, $0x8000;
	v26 =	vadd.s32 v25, v26;
	v25 =	vadd.s32 v32, v37;
	v33, _, _ =	vpop (xrf0);
	[tilespmem:v34+s19+$0x0] =	vst.idx.msk vm12, v35  }
0xee: {  	_ =	sdelay $0x4  }
0xef: {  	[tilespmem:v12+s19+$0x0] =	vst.idx.msk vm2, v23  }
0xf0: {  	v52, _, _ =	vpop (xrf0);
	vm2 =	vmand vm10, vm13;
	[tilespmem:v19+s18+$0x0] =	vst.idx.msk vm3, v10  }
0xf1: {  	vm15 =	vlt.s32 v26, $0x8000;
	[tilespmem:v18+s18+$0x0] =	vst.idx.msk vm1, v7;
	v53, _, _ =	vpop (xrf0)  }
0xf2: {  	v55 =	vadd.s32 v31, v33;
	[tilespmem:v14+s18+$0x0] =	vst.idx.msk vm0, v5;
	vm12 =	vmand vm8, vm15;
	v54, _, _ =	vpop (xrf0)  }
0xf3: {  	[tilespmem:v19+s19+$0x0] =	vst.idx.msk vm3, v22;
	vm13 =	vlt.s32 v55, $0x8000;
	v56, _, _ =	vpop (xrf0)  }
0xf4: {  	s0 =	sadd.s32 $0x80, s31;
	[tilespmem:v18+s19+$0x0] =	vst.idx.msk vm1, v21;
	vm1 =	vmand vm7, vm13;
	v7 =	vadd.s32 v32, v56;
	v57, _, _ =	vpop (xrf0)  }
0xf5: {  	s2 =	sadd.s32 $0xFFFFFF90, s0;
	[tilespmem:v14+s19+$0x0] =	vst.idx.msk vm0, v20;
	vm14 =	vlt.s32 v7, $0x8000;
	v58 =	vadd.s32 v25, v57  }
0xf6: {  	v5 =	vor.u32 s2, v0;
	vm7 =	vmand vm11, vm14;
	vm15 =	vlt.s32 v58, $0x8000;
	[tilespmem:v27+s18+$0x0] =	vst.idx.msk vm2, v15  }
0xf7: {  	s30 =	sadd.s32 $0xFFFFFFA0, s0;
	v60 =	vadd.s32 v29, v53;
	vm9 =	vmand vm9, vm15;
	[tilespmem:v27+s19+$0x0] =	vst.idx.msk vm2, v5  }
0xf8: {  	v59 =	vor.u32 s30, v0;
	vm11 =	vlt.s32 v60, $0x8000;
	[tilespmem:v26+s18+$0x0] =	vst.idx.msk vm12, v13  }
0xf9: {  	s3 =	sadd.s32 $0xFFFFFFB0, s0;
	v5 =	vadd.s32 v30, v52;
	vm3 =	vmand vm5, vm11;
	[tilespmem:v26+s19+$0x0] =	vst.idx.msk vm12, v59  }
0xfa: {  	v63 =	vor.u32 s3, v0;
	vm10 =	vlt.s32 v5, $0x8000;
	[tilespmem:v55+s18+$0x0] =	vst.idx.msk vm1, v8  }
0xfb: {  	v8 =	vadd.s32 v28, v54;
	vm2 =	vmand vm6, vm10;
	[tilespmem:v55+s19+$0x0] =	vst.idx.msk vm1, v63  }
0xfc: {  	s31 =	sadd.s32 $0xFFFFFFF0, s0;
	vm12 =	vlt.s32 v8, $0x8000;
	[tilespmem:v7+s18+$0x0] =	vst.idx.msk vm7, v16  }
0xfd: {  	v62 =	vor.u32 s31, v0;
	vm13 =	vmand vm4, vm12;
	[tilespmem:v58+s18+$0x0] =	vst.idx.msk vm9, v17  }
0xfe: {  	[tilespmem:v7+s19+$0x0] =	vst.idx.msk vm7, v62  }
0xff: {  	v61 =	vor.u32 s0, v0;
	[tilespmem:v60+s18+$0x0] =	vst.idx.msk vm3, v11  }
0x100: {  	s3 =	sadd.s32 $0xFFFFFFC0, s0;
	[tilespmem:v58+s19+$0x0] =	vst.idx.msk vm9, v61  }
0x101: {  	v7 =	vor.u32 s3, v0;
	[tilespmem:v5+s18+$0x0] =	vst.idx.msk vm2, v9  }
0x102: {  	s30 =	sadd.s32 $0xFFFFFFD0, s0;
	[tilespmem:v5+s19+$0x0] =	vst.idx.msk vm2, v7  }
0x103: {  	s0 =	sadd.s32 $0xFFFFFFE0, s0;
	v5 =	vor.u32 s30, v0;
	[tilespmem:v8+s18+$0x0] =	vst.idx.msk vm13, v6  }
0x104: {  	[tilespmem:v60+s19+$0x0] =	vst.idx.msk vm3, v5;
	v5 =	vor.u32 s0, v0  }
0x105: {  	[tilespmem:v8+s19+$0x0] =	vst.idx.msk vm13, v5  }
0x106: {  	v5 =	vld [tilespmem:$0x4E80];
	_ =	sdelay $0x4  }
0x107: {  	v6 =	vshra.s32 v5, $0x10  }
0x108: {  	vm14 =	veq.s32 v6, v4  }
0x109: {  	(xrf0) =	vadd.scan.msk.s32 vm14, v3;
	_ =	sdelay $0x5  }
0x10a: {  	v6 =	vadd.s32 v25, v24;
	v7, _, _ =	vpop (xrf0)  }
0x10b: {  	v7 =	vadd.s32 v6, v7  }
0x10c: {  	vm15 =	vlt.s32 v7, $0x8000  }
0x10d: {  	s0 =	sadd.s32 $0x3, s29;
	vm1 =	vmand vm14, vm15  }
0x10e: {  	p3 =	sge.u32 s0, s6  }
0x10f: {  	s2 =	sshrl.u32 @!p3 s0, $0x3  }
0x110: {  	s0 =	sshll.u32 @!p3 s0, $0x7;
	s2 =	smul.u32 @!p3 $0x13C00, s2  }
0x111: {  	s0 =	sand.u32 @!p3 $0x380, s0  }
0x112: {  	s31 =	sadd.s32 $0x4E10, s28;
	s0 =	sor.u32 @!p3 s0, s2  }
0x113: {  	s24 =	sadd.s32 $0x1, s24;
	s3 =	simm.s32 @!p3 $0x400;
	s0 =	sshrl.u32 @!p3 s0, $0x3;
	[tilespmem:v7+s18+$0x0] =	vst.idx.msk vm1, v5;
	v5 =	vor.u32 s31, v0  }
0x114: {  	s28 =	simm.s32 @!p3 $0x2780;
	s2 =	simm.s32 @!p3 $0x80;
	s0 =	sadd.s32 @!p3 s1, s0;
	[tilespmem:v7+s19+$0x0] =	vst.idx.msk vm1, v5  }
0x115: {  	[tilespmem:s28], [sflag:$0x2] =	stream.strided.gather @!p3 [hbm4b:s0+s2], $0x2780, s3, s2, $0x38;
	[tilespmem:$0x14F80] =	vst v63  }
0x116: {  	p3 =	sne.s32 s24, $0x9C  }
.Ltmp5:
0x117: {  	_ = 	snop;
	(pc) =	sbr.rel @p3 .LBB2_4-.Ltmp5, $3  }
0x118: {  	_ = 	snop  }
0x119: {  	v5 =	vmpcnt.ones.xlane vm14;
	_ =	sdelay $0x1  }
0x11a: {  	s26 =	sadd.s32 $0x4E20, s26;
	s25 =	sadd.s32 $0x4E20, s25;
	v6 =	vadd.s32 v6, v5  }
.Ltmp6:
0x11b: {  	(pc) =	sbr.rel @p2 .LBB2_13-.Ltmp6, $1  }
0x11c: {  	_ =	sdelay $0x3  }
0x11d: {  	_ =	swait.ge [sflag:s17], $0x2780  }
0x11e: {  	[sflag:s17] =	ssyncset.done $0x0  }
0x11f: {  	s0 =	simm.s32 $0x40;
	[sflag:s17] =	ssyncadd.s32 $0xFFFFD880  }
0x120: {  	v20 =	vld [tilespmem:s0+$0xFFFFFFE0]  }
0x121: {  	v13 =	vld [tilespmem:s0+$0xFFFFFFC0]  }
0x122: {  	v16 =	vld [tilespmem:s0+$0xFFFFFFD0]  }
0x123: {  	v10 =	vld [tilespmem:s0+$0xFFFFFFF0]  }
0x124: {  	v5 =	vld [tilespmem:s0+$0x10]  }
0x125: {  	v24 =	vld [tilespmem:s0+$0x20]  }
0x126: {  	v25 =	vld [tilespmem:s0+$0x30]  }
0x127: {  	v7 =	vld [tilespmem:s0+$0x0]  }
0x128: {  	v8 =	vshra.s32 v13, $0x10  }
0x129: {  	v9 =	vshra.s32 v20, $0x10;
	vm7 =	veq.s32 v8, v4;
	v8 =	vshra.s32 v16, $0x10  }
0x12a: {  	v11 =	vshra.s32 v5, $0x10;
	v12 =	vshra.s32 v24, $0x10;
	vm4 =	veq.s32 v8, v4;
	(xrf0) =	vadd.scan.msk.s32 vm7, v3  }
0x12b: {  	v14 =	vshra.s32 v25, $0x10;
	vm2 =	veq.s32 v9, v4;
	v8 =	vshra.s32 v10, $0x10;
	(xrf0) =	vadd.scan.msk.s32 vm4, v3  }
0x12c: {  	v9 =	vshra.s32 v7, $0x10;
	vm3 =	veq.s32 v8, v4;
	v8 =	vmpcnt.ones.xlane vm7;
	(xrf0) =	vadd.scan.msk.s32 vm2, v3  }
0x12d: {  	vm0 =	veq.s32 v11, v4;
	vm1 =	veq.s32 v9, v4;
	v9 =	vmpcnt.ones.xlane vm4;
	(xrf0) =	vadd.scan.msk.s32 vm3, v3  }
0x12e: {  	vm6 =	veq.s32 v12, v4;
	v11 =	vmpcnt.ones.xlane vm2;
	v8 =	vadd.s32 v6, v8;
	(xrf0) =	vadd.scan.msk.s32 vm1, v3  }
0x12f: {  	v15 =	vmpcnt.ones.xlane vm1;
	v12 =	vmpcnt.ones.xlane vm3;
	v9 =	vadd.s32 v8, v9;
	(xrf0) =	vadd.scan.msk.s32 vm0, v3  }
0x130: {  	vm5 =	veq.s32 v14, v4;
	v11 =	vadd.s32 v9, v11;
	v14, _, _ =	vpop (xrf0);
	(xrf0) =	vadd.scan.msk.s32 vm6, v3  }
0x131: {  	v18 =	vadd.s32 v11, v12;
	v12 =	vmpcnt.ones.xlane vm0;
	v17, _, _ =	vpop (xrf0);
	(xrf0) =	vadd.scan.msk.s32 vm5, v3;
	v21 =	vadd.s32 v6, v14  }
0x132: {  	v19 =	vmpcnt.ones.xlane vm6;
	v14 =	vadd.s32 v18, v15;
	v6, _, _ =	vpop (xrf0);
	vm8 =	vlt.s32 v21, $0x8000  }
0x133: {  	v17 =	vadd.s32 v8, v17;
	v23 =	vadd.s32 v14, v12;
	v8 =	vmpcnt.ones.xlane vm5;
	v15, _, _ =	vpop (xrf0)  }
0x134: {  	vm8 =	vmand vm7, vm8;
	vm7 =	vlt.s32 v17, $0x8000;
	v12 =	vadd.s32 v9, v6;
	v22, _, _ =	vpop (xrf0)  }
0x135: {  	s24 =	simm.s32 $0xC0;
	s31 =	sadd.s32 $0xFFFFFFF0, s14;
	v19 =	vadd.s32 v23, v19;
	vm7 =	vmand vm4, vm7;
	vm4 =	vlt.s32 v12, $0x8000;
	v26, _, _ =	vpop (xrf0)  }
0x136: {  	s29 =	sadd.s32 $0xFFFFFFC0, s14;
	v35 =	vor.u32 s31, v0;
	v9 =	vld [tilespmem:s24+$0xFFFFFFF0];
	v27 =	vadd.s32 v19, v8;
	vm2 =	vmand vm2, vm4;
	v6, _, _ =	vpop (xrf0)  }
0x137: {  	v8 =	vld [tilespmem:s24+$0xFFFFFFE0];
	v18 =	vadd.s32 v18, v22;
	v22 =	vor.u32 s29, v0;
	v34 =	vadd.s32 v23, v6;
	v6, _, _ =	vpop (xrf0)  }
0x138: {  	v14 =	vadd.s32 v14, v26;
	vm4 =	vlt.s32 v34, $0x8000;
	v28 =	vadd.s32 v19, v6  }
0x139: {  	s25 =	sadd.s32 $0xFFFFFF90, s14;
	v19 =	vadd.s32 v11, v15;
	v11 =	vld [tilespmem:s24+$0x0];
	vm12 =	vmand vm6, vm4;
	vm4 =	vlt.s32 v28, $0x8000  }
0x13a: {  	s28 =	sadd.s32 $0xFFFFFFB0, s14;
	v26 =	vor.u32 s14, v0;
	v15 =	vld [tilespmem:s24+$0xFFFFFFC0];
	[tilespmem:v21+s18+$0x0] =	vst.idx.msk vm8, v13;
	v13 =	vor.u32 s25, v0;
	vm4 =	vmand vm5, vm4  }
0x13b: {  	s26 =	sadd.s32 $0xFFFFFFA0, s14;
	v23 =	vor.u32 s28, v0;
	v30 =	vshra.s32 v9, $0x10;
	vm6 =	vlt.s32 v18, $0x8000;
	[tilespmem:v21+s19+$0x0] =	vst.idx.msk vm8, v13;
	v13 =	vld [tilespmem:s24+$0xFFFFFFD0]  }
0x13c: {  	v29 =	vshra.s32 v8, $0x10;
	vm5 =	vlt.s32 v19, $0x8000;
	[tilespmem:v17+s18+$0x0] =	vst.idx.msk vm7, v16;
	v21 =	vor.u32 s26, v0  }
0x13d: {  	s2 =	sadd.s32 $0xFFFFFFD0, s14;
	v6 =	vld [tilespmem:s24+$0x10];
	vm1 =	vmand vm1, vm6;
	vm6 =	veq.s32 v30, v4;
	vm3 =	vmand vm3, vm5;
	[tilespmem:v17+s19+$0x0] =	vst.idx.msk vm7, v21  }
0x13e: {  	v16 =	vld [tilespmem:s24+$0x20];
	vm5 =	vlt.s32 v14, $0x8000;
	[tilespmem:v12+s18+$0x0] =	vst.idx.msk vm2, v20;
	v21 =	vor.u32 s2, v0;
	vm7 =	veq.s32 v29, v4  }
0x13f: {  	vm0 =	vmand vm0, vm5;
	v29 =	vmpcnt.ones.xlane vm7;
	[tilespmem:v34+s18+$0x0] =	vst.idx.msk vm12, v24;
	v24 =	vshra.s32 v15, $0x10  }
0x140: {  	v32 =	vshra.s32 v11, $0x10;
	[tilespmem:v28+s18+$0x0] =	vst.idx.msk vm4, v25;
	vm10 =	veq.s32 v24, v4;
	v24 =	vshra.s32 v13, $0x10  }
0x141: {  	v17 =	vld [tilespmem:s24+$0x30];
	[tilespmem:v28+s19+$0x0] =	vst.idx.msk vm4, v26;
	v26 =	vmpcnt.ones.xlane vm10;
	vm8 =	veq.s32 v24, v4;
	(xrf0) =	vadd.scan.msk.s32 vm10, v3  }
0x142: {  	vm5 =	veq.s32 v32, v4;
	v25 =	vshra.s32 v6, $0x10;
	v28 =	vmpcnt.ones.xlane vm8;
	(xrf0) =	vadd.scan.msk.s32 vm8, v3  }
0x143: {  	v24 =	vshra.s32 v16, $0x10;
	vm4 =	veq.s32 v25, v4;
	v26 =	vadd.s32 v27, v26;
	(xrf0) =	vadd.scan.msk.s32 vm7, v3  }
0x144: {  	s30 =	sadd.s32 $0xFFFFFFE0, s14;
	v25 =	vmpcnt.ones.xlane vm4;
	v31 =	vadd.s32 v26, v28;
	v28 =	vmpcnt.ones.xlane vm6;
	(xrf0) =	vadd.scan.msk.s32 vm6, v3  }
0x145: {  	v20 =	vor.u32 s30, v0;
	v32 =	vmpcnt.ones.xlane vm5;
	v30 =	vadd.s32 v31, v29;
	(xrf0) =	vadd.scan.msk.s32 vm5, v3  }
0x146: {  	v33 =	vshra.s32 v17, $0x10;
	vm11 =	veq.s32 v24, v4;
	v29 =	vadd.s32 v30, v28;
	(xrf0) =	vadd.scan.msk.s32 vm4, v3  }
0x147: {  	vm9 =	veq.s32 v33, v4;
	v36 =	vmpcnt.ones.xlane vm11;
	v28 =	vadd.s32 v29, v32;
	v24, _, _ =	vpop (xrf0);
	(xrf0) =	vadd.scan.msk.s32 vm11, v3  }
0x148: {  	v27 =	vadd.s32 v27, v24;
	v32 =	vadd.s32 v28, v25;
	v24 =	vmpcnt.ones.xlane vm9;
	v25, _, _ =	vpop (xrf0);
	(xrf0) =	vadd.scan.msk.s32 vm9, v3  }
0x149: {  	s0 =	simm.s32 $0x8;
	s25 =	smov.u32 s14;
	[tilespmem:v34+s19+$0x0] =	vst.idx.msk vm12, v35;
	vm13 =	vlt.s32 v27, $0x8000;
	v26 =	vadd.s32 v26, v25;
	v25 =	vadd.s32 v32, v36;
	v33, _, _ =	vpop (xrf0)  }
.LBB2_11:
0x14a: {  	s0 =	sadd.s32 $0x8, s0;
	vm12 =	vlt.s32 v26, $0x8000;
	v24 =	vadd.s32 v25, v24;
	v34, _, _ =	vpop (xrf0);
	[tilespmem:v12+s19+$0x0] =	vst.idx.msk vm2, v23;
	v12 =	vadd.s32 v31, v33  }
0x14b: {  	vm10 =	vmand vm10, vm13;
	p3 =	slt.u32 s0, $0x268;
	vm2 =	vlt.s32 v12, $0x8000;
	v23 =	vadd.s32 v30, v34;
	v30, _, _ =	vpop (xrf0);
	[tilespmem:v19+s18+$0x0] =	vst.idx.msk vm3, v10  }
0x14c: {  	vm8 =	vmand vm8, vm12;
	vm12 =	vlt.s32 v23, $0x8000;
	v10 =	vadd.s32 v29, v30;
	v29, _, _ =	vpop (xrf0);
	[tilespmem:v19+s19+$0x0] =	vst.idx.msk vm3, v22  }
0x14d: {  	s24 =	sadd.s32 $0x80, s24;
	vm2 =	vmand vm7, vm2;
	vm7 =	vlt.s32 v10, $0x8000;
	v22 =	vadd.s32 v28, v29;
	v19, _, _ =	vpop (xrf0);
	[tilespmem:v18+s18+$0x0] =	vst.idx.msk vm1, v7  }
0x14e: {  	vm3 =	vmand vm6, vm12;
	v28 =	vld [tilespmem:s24+$0xFFFFFFE0];
	vm6 =	vlt.s32 v22, $0x8000;
	v34 =	vadd.s32 v32, v19;
	v7, _, _ =	vpop (xrf0);
	[tilespmem:v18+s19+$0x0] =	vst.idx.msk vm1, v21  }
0x14f: {  	s25 =	sadd.s32 $0x80, s25;
	vm1 =	vmand vm5, vm7;
	v19 =	vmovc v23;
	v21 =	vld [tilespmem:s24+$0xFFFFFFF0];
	vm5 =	vlt.s32 v34, $0x8000;
	v25 =	vadd.s32 v25, v7;
	[tilespmem:v14+s18+$0x0] =	vst.idx.msk vm0, v5  }
0x150: {  	s2 =	sadd.s32 $0xFFFFFF90, s25;
	v18 =	vmovc v10;
	v29 =	vld [tilespmem:s24+$0x0];
	vm12 =	vmand vm11, vm5;
	vm5 =	vlt.s32 v25, $0x8000;
	[tilespmem:v14+s19+$0x0] =	vst.idx.msk vm0, v20;
	vm0 =	vmand vm4, vm6;
	v14 =	vmovc v22  }
0x151: {  	v10 =	vmovc v9;
	v7 =	vmovc v11;
	v5 =	vmov v6;
	v20 =	vor.u32 s2, v0;
	[tilespmem:v27+s18+$0x0] =	vst.idx.msk vm10, v15;
	vm4 =	vmand vm9, vm5;
	v6 =	vld [tilespmem:s24+$0x10]  }
0x152: {  	s2 =	sadd.s32 $0xFFFFFFA0, s25;
	v15 =	vld [tilespmem:s24+$0xFFFFFFC0];
	[tilespmem:v27+s19+$0x0] =	vst.idx.msk vm10, v20  }
0x153: {  	v20 =	vor.u32 s2, v0;
	s2 =	sadd.s32 $0xFFFFFFB0, s25;
	[tilespmem:v26+s18+$0x0] =	vst.idx.msk vm8, v13;
	v13 =	vld [tilespmem:s24+$0xFFFFFFD0]  }
0x154: {  	s3 =	sadd.s32 $0xFFFFFFD0, s25;
	v23 =	vor.u32 s2, v0;
	s2 =	sadd.s32 $0xFFFFFFC0, s25;
	v27 =	vld [tilespmem:s24+$0x20];
	[tilespmem:v26+s19+$0x0] =	vst.idx.msk vm8, v20;
	v26 =	vor.u32 s25, v0;
	v9 =	vmov v21  }
0x155: {  	v22 =	vor.u32 s2, v0;
	v21 =	vor.u32 s3, v0;
	s2 =	sadd.s32 $0xFFFFFFE0, s25;
	s3 =	sadd.s32 $0xFFFFFFF0, s25;
	v30 =	vld [tilespmem:s24+$0x30];
	[tilespmem:v12+s18+$0x0] =	vst.idx.msk vm2, v8;
	v8 =	vmovc v28;
	v11 =	vmov v29  }
0x156: {  	v20 =	vor.u32 s2, v0;
	v35 =	vor.u32 s3, v0;
	v28 =	vshra.s32 v8, $0x10;
	[tilespmem:v34+s18+$0x0] =	vst.idx.msk vm12, v16  }
0x157: {  	v29 =	vshra.s32 v9, $0x10;
	v32 =	vshra.s32 v11, $0x10;
	v31 =	vshra.s32 v15, $0x10;
	[tilespmem:v25+s18+$0x0] =	vst.idx.msk vm4, v17  }
0x158: {  	v33 =	vshra.s32 v6, $0x10;
	vm10 =	veq.s32 v31, v4;
	v31 =	vshra.s32 v13, $0x10;
	[tilespmem:v25+s19+$0x0] =	vst.idx.msk vm4, v26  }
0x159: {  	v25 =	vmpcnt.ones.xlane vm10;
	vm8 =	veq.s32 v31, v4;
	v26 =	vshra.s32 v27, $0x10;
	(xrf0) =	vadd.scan.msk.s32 vm10, v3;
	v16 =	vmovc v27  }
0x15a: {  	vm7 =	veq.s32 v28, v4;
	v27 =	vmpcnt.ones.xlane vm8;
	v36 =	vshra.s32 v30, $0x10;
	(xrf0) =	vadd.scan.msk.s32 vm8, v3;
	v17 =	vmovc v30  }
0x15b: {  	vm6 =	veq.s32 v29, v4;
	v28 =	vmpcnt.ones.xlane vm7;
	v25 =	vadd.s32 v24, v25;
	(xrf0) =	vadd.scan.msk.s32 vm7, v3  }
0x15c: {  	vm5 =	veq.s32 v32, v4;
	v31 =	vadd.s32 v25, v27;
	v27 =	vmpcnt.ones.xlane vm6;
	(xrf0) =	vadd.scan.msk.s32 vm6, v3  }
.Ltmp7:
0x15d: {  	vm4 =	veq.s32 v33, v4;
	v30 =	vadd.s32 v31, v28;
	v28 =	vmpcnt.ones.xlane vm5;
	(xrf0) =	vadd.scan.msk.s32 vm5, v3;
	(pc) =	sbr.rel @p3 .LBB2_11-.Ltmp7, $4  }
0x15e: {  	v32 =	vmpcnt.ones.xlane vm4;
	vm11 =	veq.s32 v26, v4;
	v29 =	vadd.s32 v30, v27;
	(xrf0) =	vadd.scan.msk.s32 vm4, v3  }
0x15f: {  	v37 =	vmpcnt.ones.xlane vm11;
	vm9 =	veq.s32 v36, v4;
	v28 =	vadd.s32 v29, v28;
	v26, _, _ =	vpop (xrf0);
	(xrf0) =	vadd.scan.msk.s32 vm11, v3  }
0x160: {  	v27 =	vadd.s32 v24, v26;
	v32 =	vadd.s32 v28, v32;
	v24 =	vmpcnt.ones.xlane vm9;
	v26, _, _ =	vpop (xrf0);
	(xrf0) =	vadd.scan.msk.s32 vm9, v3  }
0x161: {  	vm13 =	vlt.s32 v27, $0x8000;
	v26 =	vadd.s32 v25, v26;
	v25 =	vadd.s32 v32, v37;
	v33, _, _ =	vpop (xrf0);
	[tilespmem:v34+s19+$0x0] =	vst.idx.msk vm12, v35  }
0x162: {  	_ =	sdelay $0x4  }
0x163: {  	[tilespmem:v12+s19+$0x0] =	vst.idx.msk vm2, v23  }
0x164: {  	v47, _, _ =	vpop (xrf0);
	vm2 =	vmand vm10, vm13;
	[tilespmem:v19+s18+$0x0] =	vst.idx.msk vm3, v10  }
0x165: {  	vm15 =	vlt.s32 v26, $0x8000;
	[tilespmem:v18+s18+$0x0] =	vst.idx.msk vm1, v7;
	v48, _, _ =	vpop (xrf0)  }
0x166: {  	v50 =	vadd.s32 v31, v33;
	[tilespmem:v14+s18+$0x0] =	vst.idx.msk vm0, v5;
	vm12 =	vmand vm8, vm15;
	v49, _, _ =	vpop (xrf0)  }
0x167: {  	[tilespmem:v19+s19+$0x0] =	vst.idx.msk vm3, v22;
	vm13 =	vlt.s32 v50, $0x8000;
	v51, _, _ =	vpop (xrf0)  }
0x168: {  	s0 =	sadd.s32 $0x80, s25;
	[tilespmem:v18+s19+$0x0] =	vst.idx.msk vm1, v21;
	vm1 =	vmand vm7, vm13;
	v52 =	vadd.s32 v32, v51;
	v53, _, _ =	vpop (xrf0)  }
0x169: {  	s2 =	sadd.s32 $0xFFFFFF90, s0;
	[tilespmem:v14+s19+$0x0] =	vst.idx.msk vm0, v20;
	vm14 =	vlt.s32 v52, $0x8000;
	v54 =	vadd.s32 v25, v53  }
0x16a: {  	v5 =	vor.u32 s2, v0;
	vm7 =	vmand vm11, vm14;
	vm15 =	vlt.s32 v54, $0x8000;
	[tilespmem:v27+s18+$0x0] =	vst.idx.msk vm2, v15  }
0x16b: {  	s28 =	sadd.s32 $0xFFFFFFA0, s0;
	v56 =	vadd.s32 v29, v48;
	vm9 =	vmand vm9, vm15;
	[tilespmem:v27+s19+$0x0] =	vst.idx.msk vm2, v5  }
0x16c: {  	v55 =	vor.u32 s28, v0;
	vm11 =	vlt.s32 v56, $0x8000;
	[tilespmem:v26+s18+$0x0] =	vst.idx.msk vm12, v13  }
0x16d: {  	s3 =	sadd.s32 $0xFFFFFFB0, s0;
	v5 =	vadd.s32 v30, v47;
	vm3 =	vmand vm5, vm11;
	[tilespmem:v26+s19+$0x0] =	vst.idx.msk vm12, v55  }
0x16e: {  	v60 =	vor.u32 s3, v0;
	v57 =	vadd.s32 v28, v49;
	vm10 =	vlt.s32 v5, $0x8000;
	[tilespmem:v50+s18+$0x0] =	vst.idx.msk vm1, v8  }
0x16f: {  	vm12 =	vlt.s32 v57, $0x8000;
	vm2 =	vmand vm6, vm10;
	[tilespmem:v50+s19+$0x0] =	vst.idx.msk vm1, v60  }
0x170: {  	s29 =	sadd.s32 $0xFFFFFFF0, s0;
	vm13 =	vmand vm4, vm12;
	[tilespmem:v52+s18+$0x0] =	vst.idx.msk vm7, v16  }
0x171: {  	v59 =	vor.u32 s29, v0;
	[tilespmem:v54+s18+$0x0] =	vst.idx.msk vm9, v17  }
0x172: {  	[tilespmem:v52+s19+$0x0] =	vst.idx.msk vm7, v59  }
0x173: {  	v58 =	vor.u32 s0, v0;
	[tilespmem:v56+s18+$0x0] =	vst.idx.msk vm3, v11  }
0x174: {  	[tilespmem:v54+s19+$0x0] =	vst.idx.msk vm9, v58  }
0x175: {  	s30 =	sadd.s32 $0xFFFFFFC0, s0;
	[tilespmem:v5+s18+$0x0] =	vst.idx.msk vm2, v9  }
0x176: {  	s31 =	sadd.s32 $0xFFFFFFD0, s0;
	v61 =	vor.u32 s30, v0;
	[tilespmem:v57+s18+$0x0] =	vst.idx.msk vm13, v6  }
0x177: {  	s0 =	sadd.s32 $0xFFFFFFE0, s0;
	[tilespmem:v5+s19+$0x0] =	vst.idx.msk vm2, v61;
	v5 =	vor.u32 s31, v0  }
0x178: {  	[tilespmem:v56+s19+$0x0] =	vst.idx.msk vm3, v5;
	v5 =	vor.u32 s0, v0  }
0x179: {  	[tilespmem:v57+s19+$0x0] =	vst.idx.msk vm13, v5  }
0x17a: {  	v5 =	vld [tilespmem:$0x2700];
	_ =	sdelay $0x4  }
0x17b: {  	v62 =	vshra.s32 v5, $0x10  }
0x17c: {  	vm14 =	veq.s32 v62, v4  }
0x17d: {  	(xrf0) =	vadd.scan.msk.s32 vm14, v3;
	_ =	sdelay $0x5  }
0x17e: {  	v4 =	vadd.s32 v25, v24;
	v63, _, _ =	vpop (xrf0)  }
0x17f: {  	v4 =	vadd.s32 v4, v63  }
0x180: {  	vm15 =	vlt.s32 v4, $0x8000  }
0x181: {  	vm0 =	vmand vm14, vm15;
	_ =	sdelay $0x2  }
.Ltmp8:
0x182: {  	_ = 	snop;
	(pc) =	sbr.rel .LBB2_13-.Ltmp8, $3  }
0x183: {  	_ =	sdelay $0x1  }
0x184: {  	[tilespmem:v4+s18+$0x0] =	vst.idx.msk vm0, v5  }
0x185: {  	[tilespmem:v4+s19+$0x0] =	vst.idx.msk vm0, v1  }
.LBB2_14:
0x186: {  	_ =	sfence.sel $0x180000  }
0x187: {  	[bflag:$0x0] =	sbarrier.arrive $0xFFFF  }
0x188: {  	_ =	strace $0x9000004A  }
0x189: {  	s0 =	stileid.u32;
	[bflag:$0x2] =	sbarrier.arrive $0xFFFF  }
0x18a: {  	p0 =	sne.s32 s0, $0x0;
	s0 =	rddreg [dreg:$0x3]  }
0x18b: {  	s0 =	sadd.s32 @!p0 $0x100000, s0  }
0x18c: {  	[sflag:s0] =	ssyncadd.tile.s32 @!p0 $0x1;
	_ =	shalt  }
.Lfunc_end2:
_tile_overlayer_lowered:
.L_overlay_start_2:
0x18d: {  	(tag) =	ssettag $0x2  }
0x18e: {  	s0 =	rddreg [dreg:$0x0];
	s2 =	stileid.u32  }
0x18f: {  	s1 =	rddreg [dreg:$0x1];
	p0 =	sne.s32 s2, $0x0  }
0x190: {  	s3 =	rddreg [dreg:$0x2];
	[bflag:$0x3] =	sbarrier.arrive $0xFFFF;
	s2 =	simm.s32 @!p0 $0x1C03  }
0x191: {  	[timem:s3], [sflag:s2] =	dma.local @!p0 [hbm:s0], s1  }
0x192: {  	s0 =	simm.s32 @!p0 $0x3  }
0x193: {  	_ =	swait.ge @!p0 [sflag:s0], s1  }
0x194: {  	s1 =	ssub.s32 @!p0 $0x0, s1;
	[sflag:s0] =	ssyncset.done @!p0 $0x0  }
0x195: {  	[sflag:s0] =	ssyncadd.s32 @!p0 s1  }
0x196: {  	[bflag:$0x3] =	sbarrier.arrive $0xFFFF  }
0x197: {  	_ =	shalt  }

// kernel: kernel.7.cloned.1.call-start
scs
__scs_entry_jumppad:
0x0: {  	(pc) =	sbr.rel $0x88, $3  }
0x1: {  	(tag) =	ssettag $0x0;
	lr =	simm.s32 $0x1  }
0x2: {  	[smem:$0x3FA0] =	sst lr;
	_ =	strace $0xD0000000  }
0x3: {  	_ = 	snop  }
0x4: {  	_ = 	snop  }
0x5: {  	_ = 	snop  }
0x6: {  	_ = 	snop  }
0x7: {  	_ = 	snop  }
__scs_overlays_trampoline_lowered:
0x8: {  	[smem:$0x3FAF] =	sst s0  }
0x9: {  	[smem:$0x3FB0] =	sst s1  }
0xa: {  	[smem:$0x3FB1] =	sst s2  }
0xb: {  	[smem:$0x3FB2] =	sst s3  }
0xc: {  	[smem:$0x3FB3] =	sst s4  }
0xd: {  	[smem:$0x3FB4] =	sst s5  }
0xe: {  	[smem:$0x3FB5] =	sst s6  }
0xf: {  	[smem:$0x3FB6] =	sst s7  }
0x10: {  	[smem:$0x3FB7] =	sst s8  }
0x11: {  	[smem:$0x3FB8] =	sst s9;
	s0 =	simm.s32 @!p0 $0x0  }
0x12: {  	s1 =	sld [smem:$0x3F9E];
	s0 =	simm.s32 @p0 $0x1  }
0x13: {  	[smem:$0x3FB9] =	sst s0;
	s0 =	simm.s32 @!p1 $0x0  }
0x14: {  	s2 =	sld [smem:$0x3F9D];
	s0 =	simm.s32 @p1 $0x1  }
0x15: {  	[smem:$0x3FBA] =	sst s0;
	s0 =	simm.s32 @!p2 $0x0  }
0x16: {  	s3 =	sld [smem:$0x3FDB];
	s0 =	simm.s32 @p2 $0x1  }
0x17: {  	s4 =	simm.s32 $0x1BF5;
	[smem:$0x3FBC] =	sst s0  }
0x18: {  	s0 =	sld [smem:$0x3F9F];
	_ =	swait.ge [sflag:s4], $0x0  }
0x19: {  	s7 =	sld [smem:$0x3FA0]  }
0x1a: {  	s8 =	sadd.s32 $0xFFFFE003, lr  }
0x1b: {  	s9 =	sadd.s32 $0xFFFFFEF7, lr;
	s5 =	simm.s32 $0xFFFFFFFF;
	p2 =	slt.u32 s8, $0xFFFFF086  }
0x1c: {  	p1 =	slt.u32 s9, $0xF7A;
	s5 =	simm.s32 @!p2 $0x0  }
0x1d: {  	s5 =	simm.s32 @p1 $0x1;
	p0 =	seq.s32 s7, s2  }
0x1e: {  	s7 =	smul.u32 @!p0 $0xF7A, s2;
	p2 =	seq.s32 @!p0 s5, $0x0  }
0x1f: {  	s9 =	smul.u32 $0xF7A, s1;
	s8 =	simm.s32 @!p0 $0x1BF5;
	p2 =	por !p2, p0  }
0x20: {  	[sflag:s8] =	ssyncset.s32 @!p0 $0xFFFFF086;
	s6 =	sadd.s32 @!p0 s3, s7;
	s7 =	simm.s32 @!p0 $0x108  }
0x21: {  	s3 =	sadd.s32 s3, s9;
	s6 =	sadd.s32 @!p0 $0x88, s6;
	s7 =	simm.s32 @p2 $0x1082  }
0x22: {  	[simem:s7], [sflag:s8] =	dma.local @!p0 [hbm:s6], $0xF7A  }
0x23: {  	s9 =	sor.u32 $0xD0000000, s2;
	s6 =	simm.s32 $0x108;
	_ =	swait.ge @!p0 [sflag:s8], $0x0  }
0x24: {  	s3 =	sadd.s32 $0x88, s3;
	s6 =	simm.s32 @!p1 $0x1082;
	[sflag:s4] =	ssyncset.s32 $0xFFFFF086  }
0x25: {  	[simem:s6], [sflag:s4] =	dma.local [hbm:s3], $0xF7A  }
0x26: {  	[smem:$0x3FA0] =	sst s1;
	(tag) =	ssettag s2;
	_ =	strace s9  }
0x27: {  	s1 =	sld [smem:$0x3FB0]  }
0x28: {  	s2 =	sld [smem:$0x3FB1]  }
0x29: {  	s4 =	sld [smem:$0x3FB3]  }
0x2a: {  	p0 =	seq.s32 s5, $0x0;
	s5 =	sld [smem:$0x3FB4]  }
0x2b: {  	s6 =	sld [smem:$0x3FB5]  }
0x2c: {  	s7 =	sld [smem:$0x3FB6]  }
0x2d: {  	s3 =	simm.s32 $0x108;
	s8 =	sld [smem:$0x3FB7]  }
0x2e: {  	s3 =	simm.s32 @!p0 $0x1082;
	s9 =	sld [smem:$0x3FB8]  }
0x2f: {  	lr =	sadd.s32 s0, s3;
	s0 =	sld [smem:$0x3FAF]  }
0x30: {  	s3 =	sld [smem:$0x3FB2]  }
0x31: {  	[smem:$0x3FBB] =	sst s10  }
0x32: {  	s10 =	sld [smem:$0x3FB9];
	_ =	sdelay $0x3  }
0x33: {  	p0 =	seq.s32 s10, $0x1;
	s10 =	sld [smem:$0x3FBB];
	_ =	sdelay $0x3  }
0x34: {  	[smem:$0x3FBB] =	sst s10  }
0x35: {  	s10 =	sld [smem:$0x3FBA];
	_ =	sdelay $0x3  }
0x36: {  	p1 =	seq.s32 s10, $0x1;
	s10 =	sld [smem:$0x3FBB];
	_ =	sdelay $0x3  }
0x37: {  	[smem:$0x3FBB] =	sst s10  }
0x38: {  	s10 =	sld [smem:$0x3FBC]  }
0x39: {  	_ = 	snop;
	(pc) =	sbr.ind lr, $3  }
0x3a: {  	_ = 	snop  }
0x3b: {  	_ = 	snop  }
0x3c: {  	p2 =	seq.s32 s10, $0x1;
	s10 =	sld [smem:$0x3FBB]  }
0x3d: {  	_ =	shalt  }
0x3e: {  	_ =	shalt  }
0x3f: {  	_ =	shalt  }
0x40: {  	_ =	shalt  }
0x41: {  	_ =	shalt  }
0x42: {  	_ =	shalt  }
0x43: {  	_ =	shalt  }
0x44: {  	_ =	shalt  }
0x45: {  	_ =	shalt  }
0x46: {  	_ =	shalt  }
0x47: {  	_ =	shalt  }
0x48: {  	_ =	shalt  }
0x49: {  	_ =	shalt  }
0x4a: {  	_ =	shalt  }
0x4b: {  	_ =	shalt  }
0x4c: {  	_ =	shalt  }
0x4d: {  	_ =	shalt  }
0x4e: {  	_ =	shalt  }
0x4f: {  	_ =	shalt  }
0x50: {  	_ =	shalt  }
0x51: {  	_ =	shalt  }
0x52: {  	_ =	shalt  }
0x53: {  	_ =	shalt  }
0x54: {  	_ =	shalt  }
0x55: {  	_ =	shalt  }
0x56: {  	_ =	shalt  }
0x57: {  	_ =	shalt  }
0x58: {  	_ =	shalt  }
0x59: {  	_ =	shalt  }
0x5a: {  	_ =	shalt  }
0x5b: {  	_ =	shalt  }
0x5c: {  	_ =	shalt  }
0x5d: {  	_ =	shalt  }
0x5e: {  	_ =	shalt  }
0x5f: {  	_ =	shalt  }
0x60: {  	_ =	shalt  }
0x61: {  	_ =	shalt  }
0x62: {  	_ =	shalt  }
0x63: {  	_ =	shalt  }
0x64: {  	_ =	shalt  }
0x65: {  	_ =	shalt  }
0x66: {  	_ =	shalt  }
0x67: {  	_ =	shalt  }
0x68: {  	_ =	shalt  }
0x69: {  	_ =	shalt  }
0x6a: {  	_ =	shalt  }
0x6b: {  	_ =	shalt  }
0x6c: {  	_ =	shalt  }
0x6d: {  	_ =	shalt  }
0x6e: {  	_ =	shalt  }
0x6f: {  	_ =	shalt  }
0x70: {  	_ =	shalt  }
0x71: {  	_ =	shalt  }
0x72: {  	_ =	shalt  }
0x73: {  	_ =	shalt  }
0x74: {  	_ =	shalt  }
0x75: {  	_ =	shalt  }
0x76: {  	_ =	shalt  }
0x77: {  	_ =	shalt  }
0x78: {  	_ =	shalt  }
0x79: {  	_ =	shalt  }
0x7a: {  	_ =	shalt  }
0x7b: {  	_ =	shalt  }
0x7c: {  	_ =	shalt  }
0x7d: {  	_ =	shalt  }
0x7e: {  	_ =	shalt  }
0x7f: {  	_ =	shalt  }
0x80: {  	_ =	shalt  }
0x81: {  	_ =	shalt  }
0x82: {  	_ =	shalt  }
0x83: {  	_ =	shalt  }
0x84: {  	_ =	shalt  }
0x85: {  	_ =	shalt  }
0x86: {  	_ =	shalt  }
0x87: {  	_ =	shalt  }
.Lfunc_end0:
.L_simem_size_0:
called_computation_lowered:
.L_overlay_start_0:
0x88: {  	s2 =	sld [smem:$0x3FD9]  }
0x89: {  	s3 =	sld [smem:$0x3FFE];
	_ =	sdelay $0x1  }
0x8a: {  	s1 =	srdreg.scid  }
0x8b: {  	s0 =	sand.u32 $0x1, s1  }
0x8c: {  	s15 =	sshll.u32 s0, $0xA;
	s2 =	sadd.s32 s3, s2  }
0x8d: {  	s2 =	sadd.s32 s2, s15  }
0x8e: {  	[smem:$0x3FC7] =	sst s2  }
0x8f: {  	_ = 	snop  }
0x90: {  	s2 =	sld [smem:$0x3FD0];
	_ =	sdelay $0x2  }
0x91: {  	s16 =	simm.s32 $0xA;
	s4 =	simm.s32 $0x10  }
0x92: {  	[smem:s4], [sflag:s16] =	dma.local [hbm:s2], $0x1  }
0x93: {  	_ =	swait.eq [sflag:s16], $0x1  }
0x94: {  	[sflag:s16] =	ssyncset.done $0x0  }
0x95: {  	s17 =	sld [smem:$0x10];
	[sflag:s16] =	ssyncadd.s32 $0xFFFFFFFF  }
0x96: {  	s18 =	sld [smem:$0x11];
	(tm) =	ssettm $0x1  }
0x97: {  	s19 =	sld [smem:$0x3FFB];
	_ =	sdelay $0x3  }
0x98: {  	_ =	strace s19  }
0x99: {  	s4 =	sld [smem:$0x3FFC];
	_ =	sdelay $0x3  }
0x9a: {  	_ =	strace s4  }
0x9b: {  	s4 =	sld [smem:$0x3FFD];
	_ =	sdelay $0x3  }
0x9c: {  	_ =	strace s4  }
0x9d: {  	_ =	strace $0x8FFFFFFF  }
0x9e: {  	s20 =	sld [smem:$0x3FDB];
	_ =	sdelay $0x1  }
0x9f: {  	s5 =	simm.s32 $_scs_section_size  }
0xa0: {  	s6 =	simm.s32 $_size__tile_overlayer_lowered;
	s7 =	simm.s32 $_tile_overlayer_lowered  }
0xa1: {  	s23 =	simm.s32 $0x1BFF;
	s22 =	sshll.u32 s7, $0x1;
	s4 =	sadd.s32 s5, s20  }
0xa2: {  	s8 =	simm.s32 $0x0;
	s21 =	sshll.u32 s6, $0x1;
	s6 =	sadd.s32 s22, s4  }
0xa3: {  	[timem:s8], [sflag:s23] =	dma.local [hbm:s6], s21  }
0xa4: {  	_ =	swait.ge [sflag:s23], s21  }
0xa5: {  	s5 =	ssub.s32 $0x0, s21;
	[sflag:s23] =	ssyncset.done $0x0  }
0xa6: {  	[sflag:s23] =	ssyncadd.s32 s5;
	_ =	sdelay $0x1  }
0xa7: {  	s24 =	simm.s32 $0x1B8B  }
0xa8: {  	_ =	swait.ge [sflag:s24], $0x1  }
0xa9: {  	[sflag:s24] =	ssyncset.done $0x0  }
0xaa: {  	s25 =	simm.s32 $0x1B8E;
	[sflag:s24] =	ssyncadd.s32 $0xFFFFFFFF  }
0xab: {  	s26 =	simm.s32 $execute0_lowered;
	[smem:$0x3FD2] =	sst s25  }
0xac: {  	s5 =	sshll.u32 s26, $0x1;
	_ =	strace $0x80000046;
	[dreg:$0x1] =	wrdreg $0xFFFFFFFF  }
0xad: {  	s28 =	simm.s32 $_size_execute0_lowered;
	s4 =	sadd.s32 s4, s5;
	[dreg:$0x0] =	wrdreg $0x0  }
0xae: {  	s5 =	sshll.u32 s28, $0x1;
	[dreg:$0x2] =	wrdreg s4  }
0xaf: {  	[dreg:$0x3] =	wrdreg s5  }
0xb0: {  	[dreg:$0x4] =	wrdreg $0xC0  }
0xb1: {  	_ =	task [dreg:s8], $0x5FFFF  }
0xb2: {  	[dreg:$0x1] =	wrdreg $0xFFFFFFFF  }
0xb3: {  	[dreg:$0x0] =	wrdreg $0x60  }
0xb4: {  	[dreg:$0x2] =	wrdreg s18  }
0xb5: {  	[dreg:$0x3] =	wrdreg s17  }
0xb6: {  	[dreg:$0x4] =	wrdreg $0x9  }
0xb7: {  	_ =	task.clear_ibuf [dreg:s8], $0x5FFFF;
	_ =	strace $0x90000046  }
0xb8: {  	s29 =	simm.s32 $0x9;
	_ =	strace $0x80000048  }
0xb9: {  	_ =	swait.ge [sflag:s29], $0x1  }
0xba: {  	[sflag:s29] =	ssyncadd.s32 $0xFFFFFFFF  }
0xbb: {  	_ =	strace $0x90000048  }
0xbc: {  	_ =	sfence  }
0xbd: {  	s30 =	sld [smem:$0x0];
	_ =	sdelay $0x2  }
0xbe: {  	s31 =	sshll.u32 s1, $0xD;
	s1 =	sshrl.u32 s1, $0x2  }
0xbf: {  	s3 =	sand.u32 $0x4000, s31;
	s1 =	sadd.s32 s1, s30  }
0xc0: {  	s0 =	sor.u32 s3, s0;
	s1 =	sshll.u32 s1, $0x11  }
0xc1: {  	s0 =	sor.u32 s1, s0  }
0xc2: {  	s0 =	sadd.s32 $0x8F2B, s0  }
0xc3: {  	[sflag:s0] =	ssyncadd.remote.s32 $0x1  }
0xc4: {  	_ =	sfence.sel $0xFFFF  }
0xc5: {  	[dreg:$0x0] =	wrdreg $0xFFFFFFFF;
	(pc) =	sbr.abs _section_cstart, $3  }
0xc6: {  	[dreg:$0x1] =	wrdreg $0xFFFFFFFF  }
0xc7: {  	_ =	task.clear_ibuf [dreg:s8], $0x2FFFF;
	_ =	strace $0x9FFFFFFF  }
0xc8: {  	(tm) =	ssettm $0x7FFFFFFF  }
0xc9: {  	_ =	shalt  }
tec
execute0_lowered:
.L_overlay_start_1:
0x0: {  	(tag) =	ssettag $0x1  }
0x1: {  	s1 =	srdreg.scid  }
0x2: {  	s0 =	stileid.u32;
	s2 =	rddreg [dreg:$0x0]  }
0x3: {  	s8 =	rddreg [dreg:$0x1];
	s3 =	simm.s32 $0x0;
	s14 =	simm.s32 $0x400  }
0x4: {  	s15 =	simm.s32 $0x3;
	s4 =	sand.u32 $0x1, s1;
	s1 =	rddreg [dreg:$0x2]  }
0x5: {  	s24 =	sshll.u32 s0, $0x1;
	p0 =	slt.u32 s0, $0x8;
	[smem:$0x7FF] =	sst s3  }
0x6: {  	s13 =	sshll.u32 s0, $0xC;
	p2 =	sgt.u32 s0, $0x7;
	s7 =	sor.u32 s4, s24  }
0x7: {  	s9 =	ssub.s32 $0x2, s4;
	_ =	strace $0x80000047;
	s5 =	smul.u32 $0x138, s7  }
0x8: {  	s30 =	sand.u32 $0xC000, s13;
	s13 =	simm.s32 $0x80;
	s6 =	smul.u32 $0x139, s7  }
0x9: {  	s10 =	sshrl.u32 s9, $0x1;
	s7 =	sshll.u32 s7, $0x4;
	s4 =	sadd.s32 $0x10, s5  }
0xa: {  	s8 =	sadd.s32 s8, s30;
	s9 =	ssub.s32 s9, s10;
	s4 =	smov.u32 @p0 s6  }
0xb: {  	s31 =	sand.u32 $0x70, s7;
	s5 =	sadd.s32 $0x148, s5;
	s25 =	sshrl.u32 s4, $0x3  }
0xc: {  	s11 =	sshll.u32 s4, $0x7;
	s12 =	sadd.s32 $0x1, s4;
	s10 =	smul.u32 $0x13C00, s25  }
0xd: {  	s8 =	sadd.s32 s31, s8;
	s11 =	sand.u32 $0x380, s11;
	s28 =	sshrl.u32 s12, $0x3  }
0xe: {  	s6 =	sadd.s32 $0x139, s6;
	s26 =	sor.u32 s11, s10;
	s10 =	smul.u32 $0x13C00, s28  }
.Ltmp0:
0xf: {  	s5 =	smov.u32 @p0 s6;
	s29 =	sshll.u32 s12, $0x7;
	(pc) =	sbr.rel .LBB2_1-.Ltmp0, $4  }
0x10: {  	s9 =	smax.u32 s9, $0x1;
	p0 =	sge.u32 s4, s5;
	s11 =	sand.u32 $0x380, s29  }
0x11: {  	p1 =	sge.u32 s12, s5;
	s6 =	sshrl.u32 s26, $0x3;
	s10 =	sor.u32 s11, s10  }
0x12: {  	s12 =	simm.s32 $0x2;
	s6 =	sadd.s32 s2, s6;
	s10 =	sshrl.u32 s10, $0x3  }
0x13: {  	v0 =	vimm.s32 $0x0;
	v1 =	vimm.s32 $0x1;
	s11 =	simm.s32 $0x4F00;
	s7 =	sadd.s32 s2, s10;
	s10 =	simm.s32 $0x1  }
.LBB2_13:
0x14: {  	s3 =	sadd.s32 $0x1, s3  }
0x15: {  	p3 =	sne.s32 s3, s9  }
.Ltmp1:
0x16: {  	_ = 	snop;
	(pc) =	sbr.rel @!p3 .LBB2_14-.Ltmp1, $4  }
0x17: {  	[hbm4b:s8+s13] =	stream.strided.scatter [tilespmem:s11], [sflag:$0x3], $0x4000, s14, s13, $0x38;
	[tilespmem:$0x8F00] =	vst v63  }
0x18: {  	_ =	swait.ge [sflag:s15], $0x4000  }
0x19: {  	[sflag:s15] =	ssyncset.done $0x0  }
0x1a: {  	[sflag:s15] =	ssyncadd.s32 $0xFFFFC000  }
.LBB2_1:
0x1b: {  	s16 =	simm.s32 $0x0;
	s17 =	simm.s32 $0x200  }
.LBB2_2:
0x1c: {  	p3 =	sne.s32 s17, $0xFE00;
	[tilespmem:s16+$0x4F70] =	vst v0  }
0x1d: {  	[tilespmem:s16+$0x4F00] =	vst v0  }
0x1e: {  	[tilespmem:s16+$0x4F10] =	vst v0  }
.Ltmp2:
0x1f: {  	[tilespmem:s16+$0x4F20] =	vst v0;
	(pc) =	sbr.rel @p3 .LBB2_2-.Ltmp2, $4  }
0x20: {  	[tilespmem:s16+$0x4F30] =	vst v0  }
0x21: {  	[tilespmem:s16+$0x4F40] =	vst v0  }
0x22: {  	[tilespmem:s16+$0x4F50] =	vst v0  }
0x23: {  	[tilespmem:s16+$0x4F60] =	vst v0;
	s16 =	sshra.s32 s17, $0x2;
	s17 =	sadd.s32 $0x200, s17  }
0x24: {  	[tilespmem:s16+$0x4F70] =	vst v0  }
0x25: {  	[tilespmem:s16+$0x4F00] =	vst v0  }
0x26: {  	[tilespmem:s16+$0x4F10] =	vst v0  }
0x27: {  	[tilespmem:s16+$0x4F20] =	vst v0  }
0x28: {  	[tilespmem:s16+$0x4F30] =	vst v0  }
0x29: {  	[tilespmem:s16+$0x4F40] =	vst v0  }
0x2a: {  	[tilespmem:s16+$0x4F50] =	vst v0  }
0x2b: {  	[tilespmem:s16+$0x4F60] =	vst v0;
	s16 =	simm.s32 @!p0 $0x80;
	s17 =	simm.s32 @!p0 $0x400;
	s18 =	simm.s32 @!p0 $0x0  }
0x2c: {  	[tilespmem:s18], [sflag:$0x1] =	stream.strided.gather @!p0 [hbm4b:s6+s16], $0x2780, s17, s16, $0x38;
	[tilespmem:$0x8F00] =	vst v63  }
0x2d: {  	s16 =	simm.s32 @!p1 $0x80;
	s17 =	simm.s32 @!p1 $0x400;
	s18 =	simm.s32 @!p1 $0x2780  }
0x2e: {  	[tilespmem:s18], [sflag:$0x2] =	stream.strided.gather @!p1 [hbm4b:s7+s16], $0x2780, s17, s16, $0x38;
	[tilespmem:$0x8F00] =	vst v63  }
0x2f: {  	s16 =	simm.s32 $0x0  }
.LBB2_4:
0x30: {  	_ =	swait.ge [sflag:s10], $0x2780  }
0x31: {  	[sflag:s10] =	ssyncset.done $0x0  }
0x32: {  	s17 =	simm.s32 $0x40;
	[sflag:s10] =	ssyncadd.s32 $0xFFFFD880  }
0x33: {  	v2 =	vld [tilespmem:s17+$0x30]  }
0x34: {  	v3 =	vld [tilespmem:s17+$0xFFFFFFD0]  }
0x35: {  	v4 =	vld [tilespmem:s17+$0xFFFFFFE0]  }
0x36: {  	v5 =	vld [tilespmem:s17+$0xFFFFFFF0]  }
0x37: {  	v6 =	vld [tilespmem:s17+$0x0]  }
0x38: {  	v7 =	vld [tilespmem:s17+$0x10];
	v2 =	vshra.s32 v2, $0x10  }
0x39: {  	v3 =	vshra.s32 v3, $0x10  }
0x3a: {  	v4 =	vshra.s32 v4, $0x10  }
0x3b: {  	v8 =	vld [tilespmem:s17+$0x20];
	v5 =	vshra.s32 v5, $0x10  }
0x3c: {  	v9 =	vld [tilespmem:s17+$0xFFFFFFC0];
	v6 =	vshra.s32 v6, $0x10  }
0x3d: {  	v7 =	vshra.s32 v7, $0x10;
	[tilespmem:v2+s11+$0x0] =	vst.idx.add.s32.msk $0xffff, v1  }
0x3e: {  	[tilespmem:v3+s11+$0x0] =	vst.idx.add.s32.msk $0xffff, v1  }
0x3f: {  	[tilespmem:v4+s11+$0x0] =	vst.idx.add.s32.msk $0xffff, v1  }
0x40: {  	[tilespmem:v5+s11+$0x0] =	vst.idx.add.s32.msk $0xffff, v1  }
0x41: {  	[tilespmem:v6+s11+$0x0] =	vst.idx.add.s32.msk $0xffff, v1  }
0x42: {  	s18 =	simm.s32 $0xC0;
	s17 =	simm.s32 $0x0;
	v2 =	vshra.s32 v8, $0x10;
	v3 =	vshra.s32 v9, $0x10;
	[tilespmem:v7+s11+$0x0] =	vst.idx.add.s32.msk $0xffff, v1  }
.LBB2_5:
0x43: {  	v4 =	vld [tilespmem:s18+$0x30];
	s17 =	sadd.s32 $0x8, s17  }
0x44: {  	v5 =	vld [tilespmem:s18+$0xFFFFFFD0];
	p3 =	slt.u32 s17, $0x268  }
0x45: {  	v6 =	vld [tilespmem:s18+$0xFFFFFFE0]  }
0x46: {  	v7 =	vld [tilespmem:s18+$0xFFFFFFF0]  }
0x47: {  	v8 =	vld [tilespmem:s18+$0x0]  }
0x48: {  	v9 =	vld [tilespmem:s18+$0x10];
	v4 =	vshra.s32 v4, $0x10  }
0x49: {  	v5 =	vshra.s32 v5, $0x10;
	v10 =	vld [tilespmem:s18+$0x20]  }
0x4a: {  	v11 =	vld [tilespmem:s18+$0xFFFFFFC0];
	v6 =	vshra.s32 v6, $0x10  }
0x4b: {  	v7 =	vshra.s32 v7, $0x10;
	[tilespmem:v3+s11+$0x0] =	vst.idx.add.s32.msk $0xffff, v1  }
0x4c: {  	v8 =	vshra.s32 v8, $0x10;
	[tilespmem:v2+s11+$0x0] =	vst.idx.add.s32.msk $0xffff, v1  }
0x4d: {  	v9 =	vshra.s32 v9, $0x10;
	[tilespmem:v4+s11+$0x0] =	vst.idx.add.s32.msk $0xffff, v1  }
.Ltmp3:
0x4e: {  	[tilespmem:v5+s11+$0x0] =	vst.idx.add.s32.msk $0xffff, v1;
	v2 =	vshra.s32 v10, $0x10;
	(pc) =	sbr.rel @p3 .LBB2_5-.Ltmp3, $4  }
0x4f: {  	v3 =	vshra.s32 v11, $0x10;
	[tilespmem:v6+s11+$0x0] =	vst.idx.add.s32.msk $0xffff, v1  }
0x50: {  	[tilespmem:v7+s11+$0x0] =	vst.idx.add.s32.msk $0xffff, v1  }
0x51: {  	[tilespmem:v8+s11+$0x0] =	vst.idx.add.s32.msk $0xffff, v1  }
0x52: {  	s18 =	sadd.s32 $0x80, s18;
	[tilespmem:v9+s11+$0x0] =	vst.idx.add.s32.msk $0xffff, v1  }
0x53: {  	_ =	sdelay $0x3  }
0x54: {  	[tilespmem:v3+s11+$0x0] =	vst.idx.add.s32.msk $0xffff, v1  }
0x55: {  	[tilespmem:v2+s11+$0x0] =	vst.idx.add.s32.msk $0xffff, v1  }
0x56: {  	v2 =	vld [tilespmem:$0x2700]  }
0x57: {  	s17 =	sshll.u32 s16, $0x1  }
0x58: {  	s17 =	sadd.s32 s4, s17  }
0x59: {  	s18 =	sadd.s32 $0x2, s17  }
0x5a: {  	p3 =	sge.u32 s18, s5  }
0x5b: {  	s19 =	sshrl.u32 @!p3 s18, $0x3;
	v2 =	vshra.s32 v2, $0x10  }
0x5c: {  	s18 =	sshll.u32 @!p3 s18, $0x7;
	s19 =	smul.u32 @!p3 $0x13C00, s19  }
0x5d: {  	s18 =	sand.u32 @!p3 $0x380, s18  }
0x5e: {  	s18 =	sor.u32 @!p3 s18, s19  }
0x5f: {  	s20 =	simm.s32 @!p3 $0x400;
	s18 =	sshrl.u32 @!p3 s18, $0x3  }
0x60: {  	s21 =	simm.s32 @!p3 $0x0;
	s19 =	simm.s32 @!p3 $0x80;
	s18 =	sadd.s32 @!p3 s2, s18;
	[tilespmem:v2+s11+$0x0] =	vst.idx.add.s32.msk $0xffff, v1  }
0x61: {  	[tilespmem:s21], [sflag:$0x1] =	stream.strided.gather @!p3 [hbm4b:s18+s19], $0x2780, s20, s19, $0x38;
	[tilespmem:$0x8F00] =	vst v63  }
0x62: {  	_ =	swait.ge [sflag:s12], $0x2780  }
0x63: {  	[sflag:s12] =	ssyncset.done $0x0  }
0x64: {  	s31 =	simm.s32 $0x27C0;
	[sflag:s12] =	ssyncadd.s32 $0xFFFFD880  }
0x65: {  	v2 =	vld [tilespmem:s31+$0x30]  }
0x66: {  	v3 =	vld [tilespmem:s31+$0xFFFFFFD0]  }
0x67: {  	v4 =	vld [tilespmem:s31+$0xFFFFFFE0]  }
0x68: {  	v5 =	vld [tilespmem:s31+$0xFFFFFFF0]  }
0x69: {  	v6 =	vld [tilespmem:s31+$0x0]  }
0x6a: {  	v7 =	vld [tilespmem:s31+$0x10];
	v2 =	vshra.s32 v2, $0x10  }
0x6b: {  	v3 =	vshra.s32 v3, $0x10  }
0x6c: {  	v4 =	vshra.s32 v4, $0x10  }
0x6d: {  	v8 =	vld [tilespmem:s31+$0x20];
	v5 =	vshra.s32 v5, $0x10  }
0x6e: {  	v9 =	vld [tilespmem:s31+$0xFFFFFFC0];
	v6 =	vshra.s32 v6, $0x10  }
0x6f: {  	v7 =	vshra.s32 v7, $0x10;
	[tilespmem:v2+s11+$0x0] =	vst.idx.add.s32.msk $0xffff, v1  }
0x70: {  	[tilespmem:v3+s11+$0x0] =	vst.idx.add.s32.msk $0xffff, v1  }
0x71: {  	[tilespmem:v4+s11+$0x0] =	vst.idx.add.s32.msk $0xffff, v1  }
0x72: {  	[tilespmem:v5+s11+$0x0] =	vst.idx.add.s32.msk $0xffff, v1  }
0x73: {  	[tilespmem:v6+s11+$0x0] =	vst.idx.add.s32.msk $0xffff, v1  }
0x74: {  	s18 =	simm.s32 $0x0;
	s19 =	simm.s32 $0x2840;
	v2 =	vshra.s32 v8, $0x10;
	v3 =	vshra.s32 v9, $0x10;
	[tilespmem:v7+s11+$0x0] =	vst.idx.add.s32.msk $0xffff, v1  }
.LBB2_7:
0x75: {  	v4 =	vld [tilespmem:s19+$0x30];
	s18 =	sadd.s32 $0x8, s18  }
0x76: {  	v5 =	vld [tilespmem:s19+$0xFFFFFFD0];
	p3 =	slt.u32 s18, $0x268  }
0x77: {  	v6 =	vld [tilespmem:s19+$0xFFFFFFE0]  }
0x78: {  	v7 =	vld [tilespmem:s19+$0xFFFFFFF0]  }
0x79: {  	v8 =	vld [tilespmem:s19+$0x0]  }
0x7a: {  	v9 =	vld [tilespmem:s19+$0x10];
	v4 =	vshra.s32 v4, $0x10  }
0x7b: {  	v5 =	vshra.s32 v5, $0x10;
	v10 =	vld [tilespmem:s19+$0x20]  }
0x7c: {  	v11 =	vld [tilespmem:s19+$0xFFFFFFC0];
	v6 =	vshra.s32 v6, $0x10  }
0x7d: {  	v7 =	vshra.s32 v7, $0x10;
	[tilespmem:v3+s11+$0x0] =	vst.idx.add.s32.msk $0xffff, v1  }
0x7e: {  	v8 =	vshra.s32 v8, $0x10;
	[tilespmem:v2+s11+$0x0] =	vst.idx.add.s32.msk $0xffff, v1  }
0x7f: {  	v9 =	vshra.s32 v9, $0x10;
	[tilespmem:v4+s11+$0x0] =	vst.idx.add.s32.msk $0xffff, v1  }
.Ltmp4:
0x80: {  	[tilespmem:v5+s11+$0x0] =	vst.idx.add.s32.msk $0xffff, v1;
	v2 =	vshra.s32 v10, $0x10;
	(pc) =	sbr.rel @p3 .LBB2_7-.Ltmp4, $4  }
0x81: {  	v3 =	vshra.s32 v11, $0x10;
	[tilespmem:v6+s11+$0x0] =	vst.idx.add.s32.msk $0xffff, v1  }
0x82: {  	[tilespmem:v7+s11+$0x0] =	vst.idx.add.s32.msk $0xffff, v1  }
0x83: {  	[tilespmem:v8+s11+$0x0] =	vst.idx.add.s32.msk $0xffff, v1  }
0x84: {  	s19 =	sadd.s32 $0x80, s19;
	[tilespmem:v9+s11+$0x0] =	vst.idx.add.s32.msk $0xffff, v1  }
0x85: {  	_ =	sdelay $0x3  }
0x86: {  	[tilespmem:v3+s11+$0x0] =	vst.idx.add.s32.msk $0xffff, v1  }
0x87: {  	[tilespmem:v2+s11+$0x0] =	vst.idx.add.s32.msk $0xffff, v1  }
0x88: {  	v2 =	vld [tilespmem:$0x4E80];
	_ =	sdelay $0x2  }
0x89: {  	s17 =	sadd.s32 $0x3, s17  }
0x8a: {  	p3 =	sge.u32 s17, s5  }
0x8b: {  	s18 =	sshrl.u32 @!p3 s17, $0x3;
	v2 =	vshra.s32 v2, $0x10  }
0x8c: {  	s17 =	sshll.u32 @!p3 s17, $0x7;
	s18 =	smul.u32 @!p3 $0x13C00, s18  }
0x8d: {  	s17 =	sand.u32 @!p3 $0x380, s17  }
0x8e: {  	s17 =	sor.u32 @!p3 s17, s18  }
0x8f: {  	s16 =	sadd.s32 $0x1, s16;
	s19 =	simm.s32 @!p3 $0x400;
	s17 =	sshrl.u32 @!p3 s17, $0x3  }
0x90: {  	s20 =	simm.s32 @!p3 $0x2780;
	s18 =	simm.s32 @!p3 $0x80;
	s17 =	sadd.s32 @!p3 s2, s17;
	[tilespmem:v2+s11+$0x0] =	vst.idx.add.s32.msk $0xffff, v1  }
0x91: {  	[tilespmem:s20], [sflag:$0x2] =	stream.strided.gather @!p3 [hbm4b:s17+s18], $0x2780, s19, s18, $0x38;
	[tilespmem:$0x8F00] =	vst v63  }
0x92: {  	p3 =	sne.s32 s16, $0x9C  }
.Ltmp5:
0x93: {  	_ = 	snop;
	(pc) =	sbr.rel @p3 .LBB2_4-.Ltmp5, $1  }
0x94: {  	_ =	sdelay $0x3  }
.Ltmp6:
0x95: {  	(pc) =	sbr.rel @p2 .LBB2_13-.Ltmp6, $1  }
0x96: {  	_ =	sdelay $0x3  }
0x97: {  	_ =	swait.ge [sflag:s10], $0x2780  }
0x98: {  	[sflag:s10] =	ssyncset.done $0x0  }
0x99: {  	s16 =	simm.s32 $0x40;
	[sflag:s10] =	ssyncadd.s32 $0xFFFFD880  }
0x9a: {  	v2 =	vld [tilespmem:s16+$0x30]  }
0x9b: {  	v3 =	vld [tilespmem:s16+$0xFFFFFFD0]  }
0x9c: {  	v4 =	vld [tilespmem:s16+$0xFFFFFFE0]  }
0x9d: {  	v5 =	vld [tilespmem:s16+$0xFFFFFFF0]  }
0x9e: {  	v6 =	vld [tilespmem:s16+$0x0]  }
0x9f: {  	v7 =	vld [tilespmem:s16+$0x10];
	v2 =	vshra.s32 v2, $0x10  }
0xa0: {  	v3 =	vshra.s32 v3, $0x10  }
0xa1: {  	v4 =	vshra.s32 v4, $0x10  }
0xa2: {  	v8 =	vld [tilespmem:s16+$0x20];
	v5 =	vshra.s32 v5, $0x10  }
0xa3: {  	v9 =	vld [tilespmem:s16+$0xFFFFFFC0];
	v6 =	vshra.s32 v6, $0x10  }
0xa4: {  	v7 =	vshra.s32 v7, $0x10;
	[tilespmem:v2+s11+$0x0] =	vst.idx.add.s32.msk $0xffff, v1  }
0xa5: {  	[tilespmem:v3+s11+$0x0] =	vst.idx.add.s32.msk $0xffff, v1  }
0xa6: {  	[tilespmem:v4+s11+$0x0] =	vst.idx.add.s32.msk $0xffff, v1  }
0xa7: {  	[tilespmem:v5+s11+$0x0] =	vst.idx.add.s32.msk $0xffff, v1  }
0xa8: {  	[tilespmem:v6+s11+$0x0] =	vst.idx.add.s32.msk $0xffff, v1  }
0xa9: {  	s17 =	simm.s32 $0xC0;
	s16 =	simm.s32 $0x0;
	v2 =	vshra.s32 v8, $0x10;
	v3 =	vshra.s32 v9, $0x10;
	[tilespmem:v7+s11+$0x0] =	vst.idx.add.s32.msk $0xffff, v1  }
.LBB2_11:
0xaa: {  	v4 =	vld [tilespmem:s17+$0x30];
	s16 =	sadd.s32 $0x8, s16  }
0xab: {  	v5 =	vld [tilespmem:s17+$0xFFFFFFD0];
	p3 =	slt.u32 s16, $0x268  }
0xac: {  	v6 =	vld [tilespmem:s17+$0xFFFFFFE0]  }
0xad: {  	v7 =	vld [tilespmem:s17+$0xFFFFFFF0]  }
0xae: {  	v8 =	vld [tilespmem:s17+$0x0]  }
0xaf: {  	v9 =	vld [tilespmem:s17+$0x10];
	v4 =	vshra.s32 v4, $0x10  }
0xb0: {  	v5 =	vshra.s32 v5, $0x10;
	v10 =	vld [tilespmem:s17+$0x20]  }
0xb1: {  	v11 =	vld [tilespmem:s17+$0xFFFFFFC0];
	v6 =	vshra.s32 v6, $0x10  }
0xb2: {  	v7 =	vshra.s32 v7, $0x10;
	[tilespmem:v3+s11+$0x0] =	vst.idx.add.s32.msk $0xffff, v1  }
0xb3: {  	v8 =	vshra.s32 v8, $0x10;
	[tilespmem:v2+s11+$0x0] =	vst.idx.add.s32.msk $0xffff, v1  }
0xb4: {  	v9 =	vshra.s32 v9, $0x10;
	[tilespmem:v4+s11+$0x0] =	vst.idx.add.s32.msk $0xffff, v1  }
.Ltmp7:
0xb5: {  	[tilespmem:v5+s11+$0x0] =	vst.idx.add.s32.msk $0xffff, v1;
	v2 =	vshra.s32 v10, $0x10;
	(pc) =	sbr.rel @p3 .LBB2_11-.Ltmp7, $4  }
0xb6: {  	v3 =	vshra.s32 v11, $0x10;
	[tilespmem:v6+s11+$0x0] =	vst.idx.add.s32.msk $0xffff, v1  }
0xb7: {  	[tilespmem:v7+s11+$0x0] =	vst.idx.add.s32.msk $0xffff, v1  }
0xb8: {  	[tilespmem:v8+s11+$0x0] =	vst.idx.add.s32.msk $0xffff, v1  }
0xb9: {  	s17 =	sadd.s32 $0x80, s17;
	[tilespmem:v9+s11+$0x0] =	vst.idx.add.s32.msk $0xffff, v1  }
0xba: {  	_ =	sdelay $0x3  }
0xbb: {  	[tilespmem:v3+s11+$0x0] =	vst.idx.add.s32.msk $0xffff, v1  }
0xbc: {  	[tilespmem:v2+s11+$0x0] =	vst.idx.add.s32.msk $0xffff, v1  }
0xbd: {  	v2 =	vld [tilespmem:$0x2700];
	_ =	sdelay $0x4  }
0xbe: {  	v2 =	vshra.s32 v2, $0x10  }
.Ltmp8:
0xbf: {  	_ = 	snop;
	(pc) =	sbr.rel .LBB2_13-.Ltmp8, $2  }
0xc0: {  	_ =	sdelay $0x2  }
0xc1: {  	[tilespmem:v2+s11+$0x0] =	vst.idx.add.s32.msk $0xffff, v1  }
.LBB2_14:
0xc2: {  	_ =	sfence.sel $0x180000  }
0xc3: {  	[bflag:$0x0] =	sbarrier.arrive $0xFFFF  }
0xc4: {  	p0 =	sne.s32 s0, $0x0;
	_ =	strace $0x90000047  }
0xc5: {  	s0 =	sadd.s32 @!p0 $0x100000, s1;
	[bflag:$0x2] =	sbarrier.arrive $0xFFFF  }
0xc6: {  	[sflag:s0] =	ssyncadd.tile.s32 @!p0 $0x1;
	_ =	shalt  }
.Lfunc_end2:
_tile_overlayer_lowered:
.L_overlay_start_2:
0xc7: {  	(tag) =	ssettag $0x2  }
0xc8: {  	s0 =	rddreg [dreg:$0x0];
	s2 =	stileid.u32  }
0xc9: {  	s1 =	rddreg [dreg:$0x1];
	p0 =	sne.s32 s2, $0x0  }
0xca: {  	s3 =	rddreg [dreg:$0x2];
	[bflag:$0x3] =	sbarrier.arrive $0xFFFF;
	s2 =	simm.s32 @!p0 $0x1C03  }
0xcb: {  	[timem:s3], [sflag:s2] =	dma.local @!p0 [hbm:s0], s1  }
0xcc: {  	s0 =	simm.s32 @!p0 $0x3  }
0xcd: {  	_ =	swait.ge @!p0 [sflag:s0], s1  }
0xce: {  	s1 =	ssub.s32 @!p0 $0x0, s1;
	[sflag:s0] =	ssyncset.done @!p0 $0x0  }
0xcf: {  	[sflag:s0] =	ssyncadd.s32 @!p0 s1  }
0xd0: {  	[bflag:$0x3] =	sbarrier.arrive $0xFFFF  }
0xd1: {  	_ =	shalt  }

</sc_bundles>
